<compile_context>
chip_gen: v7x
topology: tpu7x:2x2x1
jax: 0.10.2.dev20260603
libtpu: 0.0.44.dev20260713+nightly
codegen_flags: <defaults>
</compile_context>

<pallas_src>
import jax
import jax.numpy as jnp
from jax import lax
from jax.experimental import pallas as pl
from jax.experimental.pallas import tpu as pltpu
from jax.experimental.pallas import tpu_sc as plsc

NP = 8732
NT = 5000
P_PAD = 8960
T_PAD = 5120
P_TILE = 256
T_CHUNK = 1024
N_PTILE = P_PAD // P_TILE
N_TCHUNK = T_PAD // T_CHUNK
BIG = 2 ** 30

NSC = 16
T_PER_W = T_PAD // NSC
P_PER_W = P_PAD // NSC


def _iou_argmax_body(px0, py0, px1, py1, pa,
                     gx0, gy0, gx1, gy1, ga,
                     btv_ref, bti_ref, mv_out, mi_out, mv_ref, mi_ref):
    pid = pl.program_id(0)

    @pl.when(pid == 0)
    def _init():
        mv_ref[...] = jnp.full((1, T_PAD), -1.0, jnp.float32)
        mi_ref[...] = jnp.zeros((1, T_PAD), jnp.float32)

    px0v = px0[...]
    py0v = py0[...]
    px1v = px1[...]
    py1v = py1[...]
    pav = pa[...]

    row_val = jnp.full((P_TILE, 1), -1.0, jnp.float32)
    row_idx = jnp.zeros((P_TILE, 1), jnp.float32)
    riota = (jax.lax.broadcasted_iota(jnp.int32, (P_TILE, 1), 0)
             + pid * P_TILE).astype(jnp.float32)

    for c in range(N_TCHUNK):
        sl = pl.ds(c * T_CHUNK, T_CHUNK)
        gx0v = gx0[0:1, sl]
        gy0v = gy0[0:1, sl]
        gx1v = gx1[0:1, sl]
        gy1v = gy1[0:1, sl]
        gav = ga[0:1, sl]

        ltx = jnp.maximum(gx0v, px0v)
        lty = jnp.maximum(gy0v, py0v)
        rbx = jnp.minimum(gx1v, px1v)
        rby = jnp.minimum(gy1v, py1v)
        wx = jnp.clip(rbx - ltx, 0.0, None)
        wy = jnp.clip(rby - lty, 0.0, None)
        ov = wx * wy
        iou = ov / (gav + pav - ov + 1e-5)

        tiota = (jax.lax.broadcasted_iota(jnp.int32, (1, T_CHUNK), 1)
                 .astype(jnp.float32) + float(c * T_CHUNK))
        cmax = jnp.max(iou, axis=1, keepdims=True)
        cidx = jnp.min(jnp.where(iou == cmax, tiota, float(BIG)),
                       axis=1, keepdims=True)
        upd = cmax > row_val
        row_val = jnp.where(upd, cmax, row_val)
        row_idx = jnp.where(upd, cidx, row_idx)

        colmax = jnp.max(iou, axis=0, keepdims=True)
        ridx = jnp.min(jnp.where(iou == colmax, riota, float(BIG)),
                       axis=0, keepdims=True)
        cur = mv_ref[0:1, sl]
        curi = mi_ref[0:1, sl]
        upd2 = colmax > cur
        mv_ref[0:1, sl] = jnp.where(upd2, colmax, cur)
        mi_ref[0:1, sl] = jnp.where(upd2, ridx, curi)

    btv_ref[...] = row_val
    bti_ref[...] = row_idx

    @pl.when(pid == N_PTILE - 1)
    def _flush():
        mv_out[...] = mv_ref[...]
        mi_out[...] = mi_ref[...]


def _stage_a(p_cols, g_rows):
    col_spec = pl.BlockSpec((P_TILE, 1), lambda i: (i, 0))
    row_spec = pl.BlockSpec((1, T_PAD), lambda i: (0, 0))
    return pl.pallas_call(
        _iou_argmax_body,
        grid=(N_PTILE,),
        in_specs=[col_spec] * 5 + [row_spec] * 5,
        out_specs=[
            pl.BlockSpec((P_TILE, 1), lambda i: (i, 0)),
            pl.BlockSpec((P_TILE, 1), lambda i: (i, 0)),
            pl.BlockSpec((1, T_PAD), lambda i: (0, 0)),
            pl.BlockSpec((1, T_PAD), lambda i: (0, 0)),
        ],
        out_shape=[
            jax.ShapeDtypeStruct((P_PAD, 1), jnp.float32),
            jax.ShapeDtypeStruct((P_PAD, 1), jnp.float32),
            jax.ShapeDtypeStruct((1, T_PAD), jnp.float32),
            jax.ShapeDtypeStruct((1, T_PAD), jnp.float32),
        ],
        scratch_shapes=[
            pltpu.VMEM((1, T_PAD), jnp.float32),
            pltpu.VMEM((1, T_PAD), jnp.float32),
        ],
    )(*p_cols, *g_rows)


def _sc_body(neg1_h, bppt_h, bti_h, btv_h, gtb_h, glab_h,
             lab_h, boxT_h,
             priv, shared, bpptv, gtbv, glabv, btiv, btvv,
             mergedv, tmpv, labv, boxTv):
    w = lax.axis_index("s")

    pltpu.sync_copy(neg1_h, priv.at[pl.ds(0, P_PAD)])
    pltpu.sync_copy(gtb_h, gtbv)
    pltpu.sync_copy(glab_h, glabv)
    pltpu.sync_copy(bppt_h.at[pl.ds(w * T_PER_W, T_PER_W)], bpptv)
    pltpu.sync_copy(bti_h.at[pl.ds(w * P_PER_W, P_PER_W)], btiv)
    pltpu.sync_copy(btv_h.at[pl.ds(w * P_PER_W, P_PER_W)], btvv)

    iota = lax.iota(jnp.int32, 16)

    def g_body(g, _):
        t0 = w * T_PER_W + g * 16
        p = bpptv[pl.ds(g * 16, 16)]
        tvec = t0 + iota
        valid = tvec < NT
        dup = jnp.zeros((16,), jnp.bool_)
        for s in range(1, 16):
            q = lax.gather(
                p, ((iota + s) & 15)[:, None],
                lax.GatherDimensionNumbers(offset_dims=(),
                                           collapsed_slice_dims=(0,),
                                           start_index_map=(0,)),
                (1,), mode=lax.GatherScatterMode.PROMISE_IN_BOUNDS)
            later = (iota + s) < 16
            dup = dup | (later & (q == p))
        m = valid & jnp.logical_not(dup)
        plsc.store_scatter(priv, [p], tvec, mask=m)
        return 0
    lax.fori_loop(0, T_PER_W // 16, g_body, 0)

    pltpu.sync_copy(priv.at[pl.ds(0, P_PAD)], shared.at[pl.ds(w * P_PAD, P_PAD)])
    plsc.subcore_barrier()

    pltpu.sync_copy(shared.at[pl.ds(w * P_PER_W, P_PER_W)], mergedv)

    def j_body(j, _):
        pltpu.sync_copy(shared.at[pl.ds(j * P_PAD + w * P_PER_W, P_PER_W)], tmpv)

        def i_body(i, _):
            sl = pl.ds(i * 16, 16)
            mergedv[sl] = jnp.maximum(mergedv[sl], tmpv[sl])
            return 0
        lax.fori_loop(0, P_PER_W // 16, i_body, 0)
        return 0
    lax.fori_loop(1, NSC, j_body, 0)

    def f_body(g, _):
        sl = pl.ds(g * 16, 16)
        m = mergedv[sl]
        over = m >= 0
        fidx = jnp.where(over, m, btiv[sl])
        fidx = jnp.minimum(jnp.maximum(fidx, 0), NT - 1)
        lg = plsc.load_gather(glabv, [fidx])
        lab = jnp.where((~over) & (btvv[sl] < 0.5), 0, lg)
        labv[sl] = lab
        for j in range(4):
            col = plsc.load_gather(gtbv, [fidx * 4 + j])
            boxTv[pl.ds(j * P_PER_W + g * 16, 16)] = col
        return 0
    lax.fori_loop(0, P_PER_W // 16, f_body, 0)

    pltpu.sync_copy(labv, lab_h.at[pl.ds(w * P_PER_W, P_PER_W)])
    for j in range(4):
        pltpu.sync_copy(boxTv.at[pl.ds(j * P_PER_W, P_PER_W)],
                        boxT_h.at[pl.ds(j * P_PAD + w * P_PER_W, P_PER_W)])


def _stage_b(bppt, bti, btv, gtb_flat, gt_labels):
    mesh = plsc.VectorSubcoreMesh(core_axis_name="c", subcore_axis_name="s",
                                  num_cores=1, num_subcores=NSC)
    f = pl.kernel(
        _sc_body,
        out_type=[
            jax.ShapeDtypeStruct((P_PAD,), jnp.int32),
            jax.ShapeDtypeStruct((4 * P_PAD,), jnp.float32),
        ],
        mesh=mesh,
        scratch_types=[
            pltpu.VMEM((P_PAD + 8,), jnp.int32),
            pltpu.VMEM_SHARED((NSC * P_PAD,), jnp.int32),
            pltpu.VMEM((T_PER_W,), jnp.int32),
            pltpu.VMEM((NT * 4,), jnp.float32),
            pltpu.VMEM((NT,), jnp.int32),
            pltpu.VMEM((P_PER_W,), jnp.int32),
            pltpu.VMEM((P_PER_W,), jnp.float32),
            pltpu.VMEM((P_PER_W,), jnp.int32),
            pltpu.VMEM((P_PER_W,), jnp.int32),
            pltpu.VMEM((P_PER_W,), jnp.int32),
            pltpu.VMEM((4 * P_PER_W,), jnp.float32),
        ],
        compiler_params=pltpu.CompilerParams(needs_layout_passes=False),
    )
    neg1 = jnp.full((P_PAD,), -1, jnp.int32)
    return f(neg1, bppt, bti, btv, gtb_flat, gt_labels)


def _encode_body(boxT, cpT, locT):
    x0 = boxT[0:1, :]
    y0 = boxT[1:2, :]
    x1 = boxT[2:3, :]
    y1 = boxT[3:4, :]
    pcx = cpT[0:1, :]
    pcy = cpT[1:2, :]
    pw = cpT[2:3, :]
    ph = cpT[3:4, :]
    cx = (x0 + x1) / 2.0
    cy = (y0 + y1) / 2.0
    bw = x1 - x0
    bh = y1 - y0
    locT[0:1, :] = (cx - pcx) / pw / 0.1
    locT[1:2, :] = (cy - pcy) / ph / 0.1
    locT[2:3, :] = jnp.log(bw / pw) / 0.2
    locT[3:4, :] = jnp.log(bh / ph) / 0.2


def _stage_c(boxT, cpT):
    spec = pl.BlockSpec((4, P_PAD), lambda: (0, 0))
    return pl.pallas_call(
        _encode_body,
        in_specs=[spec, spec],
        out_specs=spec,
        out_shape=jax.ShapeDtypeStruct((4, P_PAD), jnp.float32),
    )(boxT, cpT)


def kernel(gt_boxes, center_form_priors, corner_form_priors, gt_labels):
    pc = jnp.pad(corner_form_priors, ((0, P_PAD - NP), (0, 0)), constant_values=2.0)
    gc = jnp.pad(gt_boxes, ((0, T_PAD - NT), (0, 0)), constant_values=2.0)

    pwh = jnp.clip(pc[:, 2:] - pc[:, :2], 0.0, None)
    pa = (pwh[:, 0] * pwh[:, 1])[:, None]
    gwh = jnp.clip(gc[:, 2:] - gc[:, :2], 0.0, None)
    ga = (gwh[:, 0] * gwh[:, 1])[None, :]

    p_cols = [pc[:, 0:1], pc[:, 1:2], pc[:, 2:3], pc[:, 3:4], pa]
    g_rows = [gc[:, 0][None, :], gc[:, 1][None, :], gc[:, 2][None, :],
              gc[:, 3][None, :], ga]

    btv, bti, _mv, mi = _stage_a(p_cols, g_rows)

    labels_pad, boxT_flat = _stage_b(mi.reshape(T_PAD).astype(jnp.int32),
                                     bti.reshape(P_PAD).astype(jnp.int32),
                                     btv.reshape(P_PAD),
                                     gt_boxes.reshape(NT * 4), gt_labels)
    boxT = boxT_flat.reshape(4, P_PAD)

    cpT = jnp.pad(center_form_priors, ((0, P_PAD - NP), (0, 0)),
                  constant_values=1.0).T
    locT = _stage_c(boxT, cpT)

    locations = locT.T[:NP]
    labels = labels_pad[:NP]
    return (locations, labels)

# --- scband reference (transcript-rebuilt; emitter-appended) ---
"""Pipeline reference for scband-ssdannotation-transform-82437602279533 (READ-ONLY COPY).

The authoritative reference and input builder live on the scoring server;
editing this copy changes nothing except your own understanding.
"""

import jax, jax.numpy as jnp
import numpy as np
import itertools, math

IMAGE_SIZE = 300
FEATURE_MAPS = [38, 19, 10, 5, 3, 1]
SHRINKAGE = [8, 16, 32, 64, 100, 300]
MIN_SIZES = [30, 60, 111, 162, 213, 264]
MAX_SIZES = [60, 111, 162, 213, 264, 315]
ASPECT_RATIOS = [[2], [2, 3], [2, 3], [2, 3], [2], [2]]
CENTER_VARIANCE = 0.1
SIZE_VARIANCE = 0.2
IOU_THRESHOLD = 0.5


def build_priors():
    priors = []
    for k, fm in enumerate(FEATURE_MAPS):
        scale = IMAGE_SIZE / SHRINKAGE[k]
        for j, i in itertools.product(range(fm), repeat=2):
            x_center = (i + 0.5) / scale
            y_center = (j + 0.5) / scale
            size = MIN_SIZES[k]
            h = w = size / IMAGE_SIZE
            priors.append([x_center, y_center, w, h])
            size = math.sqrt(MIN_SIZES[k] * MAX_SIZES[k])
            h = w = size / IMAGE_SIZE
            priors.append([x_center, y_center, w, h])
            size = MIN_SIZES[k]
            h = w = size / IMAGE_SIZE
            for ratio in ASPECT_RATIOS[k]:
                r = math.sqrt(ratio)
                priors.append([x_center, y_center, w * r, h / r])
                priors.append([x_center, y_center, w / r, h * r])
    priors = np.clip(np.array(priors, dtype=np.float32), 0.0, 1.0)
    return priors


def center_to_corner(b):
    return jnp.concatenate([b[..., :2] - b[..., 2:] / 2.0, b[..., :2] + b[..., 2:] / 2.0], axis=-1)


def corner_to_center(b):
    return jnp.concatenate([(b[..., :2] + b[..., 2:]) / 2.0, b[..., 2:] - b[..., :2]], axis=-1)


def area_of(lt, rb):
    wh = jnp.clip(rb - lt, 0.0, None)
    return wh[..., 0] * wh[..., 1]


def iou_of(boxes0, boxes1, eps=1e-5):
    lt = jnp.maximum(boxes0[..., :2], boxes1[..., :2])
    rb = jnp.minimum(boxes0[..., 2:], boxes1[..., 2:])
    overlap = area_of(lt, rb)
    a0 = area_of(boxes0[..., :2], boxes0[..., 2:])
    a1 = area_of(boxes1[..., :2], boxes1[..., 2:])
    return overlap / (a0 + a1 - overlap + eps)


def setup_inputs(seed: int = 0) -> dict:
    key = jax.random.key(seed)
    k1, k2, k3 = jax.random.split(key, 3)
    N = 5000
    centers = jax.random.uniform(k1, (N, 2), minval=0.05, maxval=0.95)
    sizes = jax.random.uniform(k2, (N, 2), minval=0.02, maxval=0.3)
    gt_boxes = jnp.clip(jnp.concatenate([centers - sizes / 2.0, centers + sizes / 2.0], axis=-1), 0.0, 1.0).astype(jnp.float32)
    gt_labels = jax.random.randint(k3, (N,), 1, 21, dtype=jnp.int32)
    center_form_priors = jnp.asarray(build_priors())
    corner_form_priors = center_to_corner(center_form_priors)
    return {
        "gt_boxes": gt_boxes,
        "center_form_priors": center_form_priors,
        "corner_form_priors": corner_form_priors,
        "gt_labels": gt_labels,
    }


def reference(gt_boxes, center_form_priors, corner_form_priors, gt_labels):
    num_targets = gt_boxes.shape[0]
    # [num_priors, num_targets] IoU matrix (memory-bound elementwise min/max)
    ious = iou_of(gt_boxes[None, :, :], corner_form_priors[:, None, :])
    best_target_per_prior = jnp.max(ious, axis=1)
    best_target_per_prior_index = jnp.argmax(ious, axis=1)
    best_prior_per_target_index = jnp.argmax(ious, axis=0)
    # force each target to its best prior (scatter-overwrite)
    best_target_per_prior_index = best_target_per_prior_index.at[best_prior_per_target_index].set(jnp.arange(num_targets))
    best_target_per_prior = best_target_per_prior.at[best_prior_per_target_index].set(2.0)
    labels = jnp.take(gt_labels, best_target_per_prior_index)
    labels = jnp.where(best_target_per_prior < IOU_THRESHOLD, 0, labels)
    boxes = jnp.take(gt_boxes, best_target_per_prior_index, axis=0)
    cf = corner_to_center(boxes)
    locations = jnp.concatenate([
        (cf[..., :2] - center_form_priors[..., :2]) / center_form_priors[..., 2:] / CENTER_VARIANCE,
        jnp.log(cf[..., 2:] / center_form_priors[..., 2:]) / SIZE_VARIANCE,
    ], axis=-1)
    return (locations, labels)

if __name__ == "__main__":
    import jax
    _d = setup_inputs()
    print(jax.jit(kernel)(*tuple(_d.values())))

</pallas_src>

<mosaic_0001>
#map = affine_map<(d0, d1) -> (0)>
module attributes {stable_mosaic.version = 14 : i64} {
  func.func @_sc_body(%arg0: i32, %arg1: i32, %arg2: memref<8960xi32, #tpu.memory_space<hbm>>, %arg3: memref<5120xi32, #tpu.memory_space<hbm>>, %arg4: memref<8960xi32, #tpu.memory_space<hbm>>, %arg5: memref<8960xf32, #tpu.memory_space<hbm>>, %arg6: memref<20000xf32, #tpu.memory_space<hbm>>, %arg7: memref<5000xi32, #tpu.memory_space<hbm>>, %arg8: memref<8960xi32, #tpu.memory_space<hbm>>, %arg9: memref<35840xf32, #tpu.memory_space<hbm>>, %arg10: memref<8968xi32, #tpu.memory_space<vmem>>, %arg11: memref<143360xi32, #tpu.memory_space<vmem_shared>>, %arg12: memref<320xi32, #tpu.memory_space<vmem>>, %arg13: memref<20000xf32, #tpu.memory_space<vmem>>, %arg14: memref<5000xi32, #tpu.memory_space<vmem>>, %arg15: memref<560xi32, #tpu.memory_space<vmem>>, %arg16: memref<560xf32, #tpu.memory_space<vmem>>, %arg17: memref<560xi32, #tpu.memory_space<vmem>>, %arg18: memref<560xi32, #tpu.memory_space<vmem>>, %arg19: memref<560xi32, #tpu.memory_space<vmem>>, %arg20: memref<2240xf32, #tpu.memory_space<vmem>>) attributes {dimension_semantics = [#tpu.dimension_semantics<core_parallel>, #tpu.dimension_semantics<subcore_parallel>], iteration_bounds = array<i64: 1, 16>, scalar_prefetch = 0 : i64, scratch_operands = 11 : i64, tpu.core_type = #tpu.core_type<sc_vector_subcore>, window_params = [{transform_indices = #map}, {transform_indices = #map}, {transform_indices = #map}, {transform_indices = #map}, {transform_indices = #map}, {transform_indices = #map}, {transform_indices = #map}, {transform_indices = #map}]} {
    "tpu.region"() ({
      %run_scoped3A = tpu.sem_alloc : memref<!tpu.dma_semaphore, #tpu.memory_space<semaphore_mem>>
      %dma_start3A = arith.constant 0 : i32
      %dma_start3A_46 = tpu.memref_slice %arg10[%dma_start3A] : memref<8968xi32, #tpu.memory_space<vmem>> -> memref<8960xi32, #tpu.memory_space<vmem>>
      %dma_start3A_47 = arith.constant 0 : i32
      %dma_start3A_48 = tpu.memref_slice %arg10[%dma_start3A_47] : memref<8968xi32, #tpu.memory_space<vmem>> -> memref<8960xi32, #tpu.memory_space<vmem>>
      tpu.enqueue_dma source(%arg2 : memref<8960xi32, #tpu.memory_space<hbm>>) target(%dma_start3A_48 : memref<8960xi32, #tpu.memory_space<vmem>>) target_semaphore(%run_scoped3A : memref<!tpu.dma_semaphore, #tpu.memory_space<semaphore_mem>>)
      %dma_wait3A = arith.constant 0 : i32
      %dma_wait3A_49 = tpu.memref_slice %arg10[%dma_wait3A] : memref<8968xi32, #tpu.memory_space<vmem>> -> memref<8960xi32, #tpu.memory_space<vmem>>
      %dma_wait3A_50 = arith.constant 0 : i32
      %dma_wait3A_51 = tpu.memref_slice %arg10[%dma_wait3A_50] : memref<8968xi32, #tpu.memory_space<vmem>> -> memref<8960xi32, #tpu.memory_space<vmem>>
      tpu.wait_dma2 semaphore(%run_scoped3A : memref<!tpu.dma_semaphore, #tpu.memory_space<semaphore_mem>>) src(%arg2 : memref<8960xi32, #tpu.memory_space<hbm>>) dst(%dma_wait3A_51 : memref<8960xi32, #tpu.memory_space<vmem>>)
      tpu.yield
    }) : () -> ()
    "tpu.region"() ({
      %run_scoped3A = tpu.sem_alloc : memref<!tpu.dma_semaphore, #tpu.memory_space<semaphore_mem>>
      tpu.enqueue_dma source(%arg6 : memref<20000xf32, #tpu.memory_space<hbm>>) target(%arg13 : memref<20000xf32, #tpu.memory_space<vmem>>) target_semaphore(%run_scoped3A : memref<!tpu.dma_semaphore, #tpu.memory_space<semaphore_mem>>)
      tpu.wait_dma2 semaphore(%run_scoped3A : memref<!tpu.dma_semaphore, #tpu.memory_space<semaphore_mem>>) src(%arg6 : memref<20000xf32, #tpu.memory_space<hbm>>) dst(%arg13 : memref<20000xf32, #tpu.memory_space<vmem>>)
      tpu.yield
    }) : () -> ()
    "tpu.region"() ({
      %run_scoped3A = tpu.sem_alloc : memref<!tpu.dma_semaphore, #tpu.memory_space<semaphore_mem>>
      tpu.enqueue_dma source(%arg7 : memref<5000xi32, #tpu.memory_space<hbm>>) target(%arg14 : memref<5000xi32, #tpu.memory_space<vmem>>) target_semaphore(%run_scoped3A : memref<!tpu.dma_semaphore, #tpu.memory_space<semaphore_mem>>)
      tpu.wait_dma2 semaphore(%run_scoped3A : memref<!tpu.dma_semaphore, #tpu.memory_space<semaphore_mem>>) src(%arg7 : memref<5000xi32, #tpu.memory_space<hbm>>) dst(%arg14 : memref<5000xi32, #tpu.memory_space<vmem>>)
      tpu.yield
    }) : () -> ()
    %mul3A = arith.constant 320 : i32
    %mul3A_0 = arith.muli %arg1, %mul3A : i32
    "tpu.region"() ({
      %run_scoped3A = tpu.sem_alloc : memref<!tpu.dma_semaphore, #tpu.memory_space<semaphore_mem>>
      %dma_start3A = tpu.memref_slice %arg3[%mul3A_0] : memref<5120xi32, #tpu.memory_space<hbm>> -> memref<320xi32, #tpu.memory_space<hbm>>
      %dma_start3A_46 = tpu.memref_slice %arg3[%mul3A_0] : memref<5120xi32, #tpu.memory_space<hbm>> -> memref<320xi32, #tpu.memory_space<hbm>>
      tpu.enqueue_dma source(%dma_start3A_46 : memref<320xi32, #tpu.memory_space<hbm>>) target(%arg12 : memref<320xi32, #tpu.memory_space<vmem>>) target_semaphore(%run_scoped3A : memref<!tpu.dma_semaphore, #tpu.memory_space<semaphore_mem>>)
      %dma_wait3A = tpu.memref_slice %arg3[%mul3A_0] : memref<5120xi32, #tpu.memory_space<hbm>> -> memref<320xi32, #tpu.memory_space<hbm>>
      %dma_wait3A_47 = tpu.memref_slice %arg3[%mul3A_0] : memref<5120xi32, #tpu.memory_space<hbm>> -> memref<320xi32, #tpu.memory_space<hbm>>
      tpu.wait_dma2 semaphore(%run_scoped3A : memref<!tpu.dma_semaphore, #tpu.memory_space<semaphore_mem>>) src(%dma_wait3A_47 : memref<320xi32, #tpu.memory_space<hbm>>) dst(%arg12 : memref<320xi32, #tpu.memory_space<vmem>>)
      tpu.yield
    }) : () -> ()
    %mul3A_1 = arith.constant 560 : i32
    %mul3A_2 = arith.muli %arg1, %mul3A_1 : i32
    "tpu.region"() ({
      %run_scoped3A = tpu.sem_alloc : memref<!tpu.dma_semaphore, #tpu.memory_space<semaphore_mem>>
      %dma_start3A = tpu.memref_slice %arg4[%mul3A_2] : memref<8960xi32, #tpu.memory_space<hbm>> -> memref<560xi32, #tpu.memory_space<hbm>>
      %dma_start3A_46 = tpu.memref_slice %arg4[%mul3A_2] : memref<8960xi32, #tpu.memory_space<hbm>> -> memref<560xi32, #tpu.memory_space<hbm>>
      tpu.enqueue_dma source(%dma_start3A_46 : memref<560xi32, #tpu.memory_space<hbm>>) target(%arg15 : memref<560xi32, #tpu.memory_space<vmem>>) target_semaphore(%run_scoped3A : memref<!tpu.dma_semaphore, #tpu.memory_space<semaphore_mem>>)
      %dma_wait3A = tpu.memref_slice %arg4[%mul3A_2] : memref<8960xi32, #tpu.memory_space<hbm>> -> memref<560xi32, #tpu.memory_space<hbm>>
      %dma_wait3A_47 = tpu.memref_slice %arg4[%mul3A_2] : memref<8960xi32, #tpu.memory_space<hbm>> -> memref<560xi32, #tpu.memory_space<hbm>>
      tpu.wait_dma2 semaphore(%run_scoped3A : memref<!tpu.dma_semaphore, #tpu.memory_space<semaphore_mem>>) src(%dma_wait3A_47 : memref<560xi32, #tpu.memory_space<hbm>>) dst(%arg15 : memref<560xi32, #tpu.memory_space<vmem>>)
      tpu.yield
    }) : () -> ()
    %mul3A_3 = arith.constant 560 : i32
    %mul3A_4 = arith.muli %arg1, %mul3A_3 : i32
    "tpu.region"() ({
      %run_scoped3A = tpu.sem_alloc : memref<!tpu.dma_semaphore, #tpu.memory_space<semaphore_mem>>
      %dma_start3A = tpu.memref_slice %arg5[%mul3A_4] : memref<8960xf32, #tpu.memory_space<hbm>> -> memref<560xf32, #tpu.memory_space<hbm>>
      %dma_start3A_46 = tpu.memref_slice %arg5[%mul3A_4] : memref<8960xf32, #tpu.memory_space<hbm>> -> memref<560xf32, #tpu.memory_space<hbm>>
      tpu.enqueue_dma source(%dma_start3A_46 : memref<560xf32, #tpu.memory_space<hbm>>) target(%arg16 : memref<560xf32, #tpu.memory_space<vmem>>) target_semaphore(%run_scoped3A : memref<!tpu.dma_semaphore, #tpu.memory_space<semaphore_mem>>)
      %dma_wait3A = tpu.memref_slice %arg5[%mul3A_4] : memref<8960xf32, #tpu.memory_space<hbm>> -> memref<560xf32, #tpu.memory_space<hbm>>
      %dma_wait3A_47 = tpu.memref_slice %arg5[%mul3A_4] : memref<8960xf32, #tpu.memory_space<hbm>> -> memref<560xf32, #tpu.memory_space<hbm>>
      tpu.wait_dma2 semaphore(%run_scoped3A : memref<!tpu.dma_semaphore, #tpu.memory_space<semaphore_mem>>) src(%dma_wait3A_47 : memref<560xf32, #tpu.memory_space<hbm>>) dst(%arg16 : memref<560xf32, #tpu.memory_space<vmem>>)
      tpu.yield
    }) : () -> ()
    %iota3A = tpu.iota {dimensions = array<i32: 0>} : vector<16xi32>
    %scan3A = arith.constant 0 : i32
    %scan3A_5 = arith.constant 0 : i32
    %scan3A_6 = arith.constant 20 : i32
    %scan3A_7 = arith.addi %scan3A_5, %scan3A_6 : i32
    %scan3A_8 = arith.constant 1 : i32
    %scan3A_9 = scf.for %scan3A_46 = %scan3A_5 to %scan3A_7 step %scan3A_8 iter_args(%scan3A_47 = %scan3A) -> (i32)  : i32 {
      %mul3A_48 = arith.constant 320 : i32
      %mul3A_49 = arith.muli %arg1, %mul3A_48 : i32
      %mul3A_50 = arith.constant 16 : i32
      %mul3A_51 = arith.muli %scan3A_46, %mul3A_50 : i32
      %add3A_52 = arith.addi %mul3A_49, %mul3A_51 : i32
      %mul3A_53 = arith.constant 16 : i32
      %mul3A_54 = arith.muli %scan3A_46, %mul3A_53 : i32
      %get3A = arith.index_cast %mul3A_54 : i32 to index
      %get3A_55 = tpu.vector_load %arg12[%get3A] {strides = array<i32>} : memref<320xi32, #tpu.memory_space<vmem>>, vector<16xi32>,
      %add3A_56 = vector.broadcast %add3A_52 : i32 to vector<16xi32>
      %add3A_57 = arith.addi %add3A_56, %iota3A : vector<16xi32>
      %lt3A = arith.constant 5000 : i32
      %lt3A_58 = vector.broadcast %lt3A : i32 to vector<16xi32>
      %lt3A_59 = arith.cmpi slt, %add3A_57, %lt3A_58 : vector<16xi32>
      %broadcast_in_dim3A = arith.constant false
      %broadcast_in_dim3A_60 = vector.broadcast %broadcast_in_dim3A : i1 to vector<16xi1>
      %add3A_61 = arith.constant 1 : i32
      %add3A_62 = vector.broadcast %add3A_61 : i32 to vector<16xi32>
      %add3A_63 = arith.addi %iota3A, %add3A_62 : vector<16xi32>
      %and3A = arith.constant 15 : i32
      %and3A_64 = vector.broadcast %and3A : i32 to vector<16xi32>
      %and3A_65 = arith.andi %add3A_63, %and3A_64 : vector<16xi32>
      %broadcast_in_dim3A_66 = vector.shape_cast %and3A_65 : vector<16xi32> to vector<16x1xi32>
      %gather3A = vector.shape_cast %broadcast_in_dim3A_66 : vector<16x1xi32> to vector<16xi32>
      %gather3A_67 = tpu.dynamic_gather %get3A_55[%gather3A] in [0] : vector<16xi32>, vector<16xi32> -> vector<16xi32>
      %add3A_68 = arith.constant 1 : i32
      %add3A_69 = vector.broadcast %add3A_68 : i32 to vector<16xi32>
      %add3A_70 = arith.addi %iota3A, %add3A_69 : vector<16xi32>
      %lt3A_71 = arith.constant 16 : i32
      %lt3A_72 = vector.broadcast %lt3A_71 : i32 to vector<16xi32>
      %lt3A_73 = arith.cmpi slt, %add3A_70, %lt3A_72 : vector<16xi32>
      %eq3A = arith.cmpi eq, %gather3A_67, %get3A_55 : vector<16xi32>
      %and3A_74 = arith.andi %lt3A_73, %eq3A : vector<16xi1>
      %or3A = arith.ori %broadcast_in_dim3A_60, %and3A_74 : vector<16xi1>
      %add3A_75 = arith.constant 2 : i32
      %add3A_76 = vector.broadcast %add3A_75 : i32 to vector<16xi32>
      %add3A_77 = arith.addi %iota3A, %add3A_76 : vector<16xi32>
      %and3A_78 = arith.constant 15 : i32
      %and3A_79 = vector.broadcast %and3A_78 : i32 to vector<16xi32>
      %and3A_80 = arith.andi %add3A_77, %and3A_79 : vector<16xi32>
      %broadcast_in_dim3A_81 = vector.shape_cast %and3A_80 : vector<16xi32> to vector<16x1xi32>
      %gather3A_82 = vector.shape_cast %broadcast_in_dim3A_81 : vector<16x1xi32> to vector<16xi32>
      %gather3A_83 = tpu.dynamic_gather %get3A_55[%gather3A_82] in [0] : vector<16xi32>, vector<16xi32> -> vector<16xi32>
      %add3A_84 = arith.constant 2 : i32
      %add3A_85 = vector.broadcast %add3A_84 : i32 to vector<16xi32>
      %add3A_86 = arith.addi %iota3A, %add3A_85 : vector<16xi32>
      %lt3A_87 = arith.constant 16 : i32
      %lt3A_88 = vector.broadcast %lt3A_87 : i32 to vector<16xi32>
      %lt3A_89 = arith.cmpi slt, %add3A_86, %lt3A_88 : vector<16xi32>
      %eq3A_90 = arith.cmpi eq, %gather3A_83, %get3A_55 : vector<16xi32>
      %and3A_91 = arith.andi %lt3A_89, %eq3A_90 : vector<16xi1>
      %or3A_92 = arith.ori %or3A, %and3A_91 : vector<16xi1>
      %add3A_93 = arith.constant 3 : i32
      %add3A_94 = vector.broadcast %add3A_93 : i32 to vector<16xi32>
      %add3A_95 = arith.addi %iota3A, %add3A_94 : vector<16xi32>
      %and3A_96 = arith.constant 15 : i32
      %and3A_97 = vector.broadcast %and3A_96 : i32 to vector<16xi32>
      %and3A_98 = arith.andi %add3A_95, %and3A_97 : vector<16xi32>
      %broadcast_in_dim3A_99 = vector.shape_cast %and3A_98 : vector<16xi32> to vector<16x1xi32>
      %gather3A_100 = vector.shape_cast %broadcast_in_dim3A_99 : vector<16x1xi32> to vector<16xi32>
      %gather3A_101 = tpu.dynamic_gather %get3A_55[%gather3A_100] in [0] : vector<16xi32>, vector<16xi32> -> vector<16xi32>
      %add3A_102 = arith.constant 3 : i32
      %add3A_103 = vector.broadcast %add3A_102 : i32 to vector<16xi32>
      %add3A_104 = arith.addi %iota3A, %add3A_103 : vector<16xi32>
      %lt3A_105 = arith.constant 16 : i32
      %lt3A_106 = vector.broadcast %lt3A_105 : i32 to vector<16xi32>
      %lt3A_107 = arith.cmpi slt, %add3A_104, %lt3A_106 : vector<16xi32>
      %eq3A_108 = arith.cmpi eq, %gather3A_101, %get3A_55 : vector<16xi32>
      %and3A_109 = arith.andi %lt3A_107, %eq3A_108 : vector<16xi1>
      %or3A_110 = arith.ori %or3A_92, %and3A_109 : vector<16xi1>
      %add3A_111 = arith.constant 4 : i32
      %add3A_112 = vector.broadcast %add3A_111 : i32 to vector<16xi32>
      %add3A_113 = arith.addi %iota3A, %add3A_112 : vector<16xi32>
      %and3A_114 = arith.constant 15 : i32
      %and3A_115 = vector.broadcast %and3A_114 : i32 to vector<16xi32>
      %and3A_116 = arith.andi %add3A_113, %and3A_115 : vector<16xi32>
      %broadcast_in_dim3A_117 = vector.shape_cast %and3A_116 : vector<16xi32> to vector<16x1xi32>
      %gather3A_118 = vector.shape_cast %broadcast_in_dim3A_117 : vector<16x1xi32> to vector<16xi32>
      %gather3A_119 = tpu.dynamic_gather %get3A_55[%gather3A_118] in [0] : vector<16xi32>, vector<16xi32> -> vector<16xi32>
      %add3A_120 = arith.constant 4 : i32
      %add3A_121 = vector.broadcast %add3A_120 : i32 to vector<16xi32>
      %add3A_122 = arith.addi %iota3A, %add3A_121 : vector<16xi32>
      %lt3A_123 = arith.constant 16 : i32
      %lt3A_124 = vector.broadcast %lt3A_123 : i32 to vector<16xi32>
      %lt3A_125 = arith.cmpi slt, %add3A_122, %lt3A_124 : vector<16xi32>
      %eq3A_126 = arith.cmpi eq, %gather3A_119, %get3A_55 : vector<16xi32>
      %and3A_127 = arith.andi %lt3A_125, %eq3A_126 : vector<16xi1>
      %or3A_128 = arith.ori %or3A_110, %and3A_127 : vector<16xi1>
      %add3A_129 = arith.constant 5 : i32
      %add3A_130 = vector.broadcast %add3A_129 : i32 to vector<16xi32>
      %add3A_131 = arith.addi %iota3A, %add3A_130 : vector<16xi32>
      %and3A_132 = arith.constant 15 : i32
      %and3A_133 = vector.broadcast %and3A_132 : i32 to vector<16xi32>
      %and3A_134 = arith.andi %add3A_131, %and3A_133 : vector<16xi32>
      %broadcast_in_dim3A_135 = vector.shape_cast %and3A_134 : vector<16xi32> to vector<16x1xi32>
      %gather3A_136 = vector.shape_cast %broadcast_in_dim3A_135 : vector<16x1xi32> to vector<16xi32>
      %gather3A_137 = tpu.dynamic_gather %get3A_55[%gather3A_136] in [0] : vector<16xi32>, vector<16xi32> -> vector<16xi32>
      %add3A_138 = arith.constant 5 : i32
      %add3A_139 = vector.broadcast %add3A_138 : i32 to vector<16xi32>
      %add3A_140 = arith.addi %iota3A, %add3A_139 : vector<16xi32>
      %lt3A_141 = arith.constant 16 : i32
      %lt3A_142 = vector.broadcast %lt3A_141 : i32 to vector<16xi32>
      %lt3A_143 = arith.cmpi slt, %add3A_140, %lt3A_142 : vector<16xi32>
      %eq3A_144 = arith.cmpi eq, %gather3A_137, %get3A_55 : vector<16xi32>
      %and3A_145 = arith.andi %lt3A_143, %eq3A_144 : vector<16xi1>
      %or3A_146 = arith.ori %or3A_128, %and3A_145 : vector<16xi1>
      %add3A_147 = arith.constant 6 : i32
      %add3A_148 = vector.broadcast %add3A_147 : i32 to vector<16xi32>
      %add3A_149 = arith.addi %iota3A, %add3A_148 : vector<16xi32>
      %and3A_150 = arith.constant 15 : i32
      %and3A_151 = vector.broadcast %and3A_150 : i32 to vector<16xi32>
      %and3A_152 = arith.andi %add3A_149, %and3A_151 : vector<16xi32>
      %broadcast_in_dim3A_153 = vector.shape_cast %and3A_152 : vector<16xi32> to vector<16x1xi32>
      %gather3A_154 = vector.shape_cast %broadcast_in_dim3A_153 : vector<16x1xi32> to vector<16xi32>
      %gather3A_155 = tpu.dynamic_gather %get3A_55[%gather3A_154] in [0] : vector<16xi32>, vector<16xi32> -> vector<16xi32>
      %add3A_156 = arith.constant 6 : i32
      %add3A_157 = vector.broadcast %add3A_156 : i32 to vector<16xi32>
      %add3A_158 = arith.addi %iota3A, %add3A_157 : vector<16xi32>
      %lt3A_159 = arith.constant 16 : i32
      %lt3A_160 = vector.broadcast %lt3A_159 : i32 to vector<16xi32>
      %lt3A_161 = arith.cmpi slt, %add3A_158, %lt3A_160 : vector<16xi32>
      %eq3A_162 = arith.cmpi eq, %gather3A_155, %get3A_55 : vector<16xi32>
      %and3A_163 = arith.andi %lt3A_161, %eq3A_162 : vector<16xi1>
      %or3A_164 = arith.ori %or3A_146, %and3A_163 : vector<16xi1>
      %add3A_165 = arith.constant 7 : i32
      %add3A_166 = vector.broadcast %add3A_165 : i32 to vector<16xi32>
      %add3A_167 = arith.addi %iota3A, %add3A_166 : vector<16xi32>
      %and3A_168 = arith.constant 15 : i32
      %and3A_169 = vector.broadcast %and3A_168 : i32 to vector<16xi32>
      %and3A_170 = arith.andi %add3A_167, %and3A_169 : vector<16xi32>
      %broadcast_in_dim3A_171 = vector.shape_cast %and3A_170 : vector<16xi32> to vector<16x1xi32>
      %gather3A_172 = vector.shape_cast %broadcast_in_dim3A_171 : vector<16x1xi32> to vector<16xi32>
      %gather3A_173 = tpu.dynamic_gather %get3A_55[%gather3A_172] in [0] : vector<16xi32>, vector<16xi32> -> vector<16xi32>
      %add3A_174 = arith.constant 7 : i32
      %add3A_175 = vector.broadcast %add3A_174 : i32 to vector<16xi32>
      %add3A_176 = arith.addi %iota3A, %add3A_175 : vector<16xi32>
      %lt3A_177 = arith.constant 16 : i32
      %lt3A_178 = vector.broadcast %lt3A_177 : i32 to vector<16xi32>
      %lt3A_179 = arith.cmpi slt, %add3A_176, %lt3A_178 : vector<16xi32>
      %eq3A_180 = arith.cmpi eq, %gather3A_173, %get3A_55 : vector<16xi32>
      %and3A_181 = arith.andi %lt3A_179, %eq3A_180 : vector<16xi1>
      %or3A_182 = arith.ori %or3A_164, %and3A_181 : vector<16xi1>
      %add3A_183 = arith.constant 8 : i32
      %add3A_184 = vector.broadcast %add3A_183 : i32 to vector<16xi32>
      %add3A_185 = arith.addi %iota3A, %add3A_184 : vector<16xi32>
      %and3A_186 = arith.constant 15 : i32
      %and3A_187 = vector.broadcast %and3A_186 : i32 to vector<16xi32>
      %and3A_188 = arith.andi %add3A_185, %and3A_187 : vector<16xi32>
      %broadcast_in_dim3A_189 = vector.shape_cast %and3A_188 : vector<16xi32> to vector<16x1xi32>
      %gather3A_190 = vector.shape_cast %broadcast_in_dim3A_189 : vector<16x1xi32> to vector<16xi32>
      %gather3A_191 = tpu.dynamic_gather %get3A_55[%gather3A_190] in [0] : vector<16xi32>, vector<16xi32> -> vector<16xi32>
      %add3A_192 = arith.constant 8 : i32
      %add3A_193 = vector.broadcast %add3A_192 : i32 to vector<16xi32>
      %add3A_194 = arith.addi %iota3A, %add3A_193 : vector<16xi32>
      %lt3A_195 = arith.constant 16 : i32
      %lt3A_196 = vector.broadcast %lt3A_195 : i32 to vector<16xi32>
      %lt3A_197 = arith.cmpi slt, %add3A_194, %lt3A_196 : vector<16xi32>
      %eq3A_198 = arith.cmpi eq, %gather3A_191, %get3A_55 : vector<16xi32>
      %and3A_199 = arith.andi %lt3A_197, %eq3A_198 : vector<16xi1>
      %or3A_200 = arith.ori %or3A_182, %and3A_199 : vector<16xi1>
      %add3A_201 = arith.constant 9 : i32
      %add3A_202 = vector.broadcast %add3A_201 : i32 to vector<16xi32>
      %add3A_203 = arith.addi %iota3A, %add3A_202 : vector<16xi32>
      %and3A_204 = arith.constant 15 : i32
      %and3A_205 = vector.broadcast %and3A_204 : i32 to vector<16xi32>
      %and3A_206 = arith.andi %add3A_203, %and3A_205 : vector<16xi32>
      %broadcast_in_dim3A_207 = vector.shape_cast %and3A_206 : vector<16xi32> to vector<16x1xi32>
      %gather3A_208 = vector.shape_cast %broadcast_in_dim3A_207 : vector<16x1xi32> to vector<16xi32>
      %gather3A_209 = tpu.dynamic_gather %get3A_55[%gather3A_208] in [0] : vector<16xi32>, vector<16xi32> -> vector<16xi32>
      %add3A_210 = arith.constant 9 : i32
      %add3A_211 = vector.broadcast %add3A_210 : i32 to vector<16xi32>
      %add3A_212 = arith.addi %iota3A, %add3A_211 : vector<16xi32>
      %lt3A_213 = arith.constant 16 : i32
      %lt3A_214 = vector.broadcast %lt3A_213 : i32 to vector<16xi32>
      %lt3A_215 = arith.cmpi slt, %add3A_212, %lt3A_214 : vector<16xi32>
      %eq3A_216 = arith.cmpi eq, %gather3A_209, %get3A_55 : vector<16xi32>
      %and3A_217 = arith.andi %lt3A_215, %eq3A_216 : vector<16xi1>
      %or3A_218 = arith.ori %or3A_200, %and3A_217 : vector<16xi1>
      %add3A_219 = arith.constant 10 : i32
      %add3A_220 = vector.broadcast %add3A_219 : i32 to vector<16xi32>
      %add3A_221 = arith.addi %iota3A, %add3A_220 : vector<16xi32>
      %and3A_222 = arith.constant 15 : i32
      %and3A_223 = vector.broadcast %and3A_222 : i32 to vector<16xi32>
      %and3A_224 = arith.andi %add3A_221, %and3A_223 : vector<16xi32>
      %broadcast_in_dim3A_225 = vector.shape_cast %and3A_224 : vector<16xi32> to vector<16x1xi32>
      %gather3A_226 = vector.shape_cast %broadcast_in_dim3A_225 : vector<16x1xi32> to vector<16xi32>
      %gather3A_227 = tpu.dynamic_gather %get3A_55[%gather3A_226] in [0] : vector<16xi32>, vector<16xi32> -> vector<16xi32>
      %add3A_228 = arith.constant 10 : i32
      %add3A_229 = vector.broadcast %add3A_228 : i32 to vector<16xi32>
      %add3A_230 = arith.addi %iota3A, %add3A_229 : vector<16xi32>
      %lt3A_231 = arith.constant 16 : i32
      %lt3A_232 = vector.broadcast %lt3A_231 : i32 to vector<16xi32>
      %lt3A_233 = arith.cmpi slt, %add3A_230, %lt3A_232 : vector<16xi32>
      %eq3A_234 = arith.cmpi eq, %gather3A_227, %get3A_55 : vector<16xi32>
      %and3A_235 = arith.andi %lt3A_233, %eq3A_234 : vector<16xi1>
      %or3A_236 = arith.ori %or3A_218, %and3A_235 : vector<16xi1>
      %add3A_237 = arith.constant 11 : i32
      %add3A_238 = vector.broadcast %add3A_237 : i32 to vector<16xi32>
      %add3A_239 = arith.addi %iota3A, %add3A_238 : vector<16xi32>
      %and3A_240 = arith.constant 15 : i32
      %and3A_241 = vector.broadcast %and3A_240 : i32 to vector<16xi32>
      %and3A_242 = arith.andi %add3A_239, %and3A_241 : vector<16xi32>
      %broadcast_in_dim3A_243 = vector.shape_cast %and3A_242 : vector<16xi32> to vector<16x1xi32>
      %gather3A_244 = vector.shape_cast %broadcast_in_dim3A_243 : vector<16x1xi32> to vector<16xi32>
      %gather3A_245 = tpu.dynamic_gather %get3A_55[%gather3A_244] in [0] : vector<16xi32>, vector<16xi32> -> vector<16xi32>
      %add3A_246 = arith.constant 11 : i32
      %add3A_247 = vector.broadcast %add3A_246 : i32 to vector<16xi32>
      %add3A_248 = arith.addi %iota3A, %add3A_247 : vector<16xi32>
      %lt3A_249 = arith.constant 16 : i32
      %lt3A_250 = vector.broadcast %lt3A_249 : i32 to vector<16xi32>
      %lt3A_251 = arith.cmpi slt, %add3A_248, %lt3A_250 : vector<16xi32>
      %eq3A_252 = arith.cmpi eq, %gather3A_245, %get3A_55 : vector<16xi32>
      %and3A_253 = arith.andi %lt3A_251, %eq3A_252 : vector<16xi1>
      %or3A_254 = arith.ori %or3A_236, %and3A_253 : vector<16xi1>
      %add3A_255 = arith.constant 12 : i32
      %add3A_256 = vector.broadcast %add3A_255 : i32 to vector<16xi32>
      %add3A_257 = arith.addi %iota3A, %add3A_256 : vector<16xi32>
      %and3A_258 = arith.constant 15 : i32
      %and3A_259 = vector.broadcast %and3A_258 : i32 to vector<16xi32>
      %and3A_260 = arith.andi %add3A_257, %and3A_259 : vector<16xi32>
      %broadcast_in_dim3A_261 = vector.shape_cast %and3A_260 : vector<16xi32> to vector<16x1xi32>
      %gather3A_262 = vector.shape_cast %broadcast_in_dim3A_261 : vector<16x1xi32> to vector<16xi32>
      %gather3A_263 = tpu.dynamic_gather %get3A_55[%gather3A_262] in [0] : vector<16xi32>, vector<16xi32> -> vector<16xi32>
      %add3A_264 = arith.constant 12 : i32
      %add3A_265 = vector.broadcast %add3A_264 : i32 to vector<16xi32>
      %add3A_266 = arith.addi %iota3A, %add3A_265 : vector<16xi32>
      %lt3A_267 = arith.constant 16 : i32
      %lt3A_268 = vector.broadcast %lt3A_267 : i32 to vector<16xi32>
      %lt3A_269 = arith.cmpi slt, %add3A_266, %lt3A_268 : vector<16xi32>
      %eq3A_270 = arith.cmpi eq, %gather3A_263, %get3A_55 : vector<16xi32>
      %and3A_271 = arith.andi %lt3A_269, %eq3A_270 : vector<16xi1>
      %or3A_272 = arith.ori %or3A_254, %and3A_271 : vector<16xi1>
      %add3A_273 = arith.constant 13 : i32
      %add3A_274 = vector.broadcast %add3A_273 : i32 to vector<16xi32>
      %add3A_275 = arith.addi %iota3A, %add3A_274 : vector<16xi32>
      %and3A_276 = arith.constant 15 : i32
      %and3A_277 = vector.broadcast %and3A_276 : i32 to vector<16xi32>
      %and3A_278 = arith.andi %add3A_275, %and3A_277 : vector<16xi32>
      %broadcast_in_dim3A_279 = vector.shape_cast %and3A_278 : vector<16xi32> to vector<16x1xi32>
      %gather3A_280 = vector.shape_cast %broadcast_in_dim3A_279 : vector<16x1xi32> to vector<16xi32>
      %gather3A_281 = tpu.dynamic_gather %get3A_55[%gather3A_280] in [0] : vector<16xi32>, vector<16xi32> -> vector<16xi32>
      %add3A_282 = arith.constant 13 : i32
      %add3A_283 = vector.broadcast %add3A_282 : i32 to vector<16xi32>
      %add3A_284 = arith.addi %iota3A, %add3A_283 : vector<16xi32>
      %lt3A_285 = arith.constant 16 : i32
      %lt3A_286 = vector.broadcast %lt3A_285 : i32 to vector<16xi32>
      %lt3A_287 = arith.cmpi slt, %add3A_284, %lt3A_286 : vector<16xi32>
      %eq3A_288 = arith.cmpi eq, %gather3A_281, %get3A_55 : vector<16xi32>
      %and3A_289 = arith.andi %lt3A_287, %eq3A_288 : vector<16xi1>
      %or3A_290 = arith.ori %or3A_272, %and3A_289 : vector<16xi1>
      %add3A_291 = arith.constant 14 : i32
      %add3A_292 = vector.broadcast %add3A_291 : i32 to vector<16xi32>
      %add3A_293 = arith.addi %iota3A, %add3A_292 : vector<16xi32>
      %and3A_294 = arith.constant 15 : i32
      %and3A_295 = vector.broadcast %and3A_294 : i32 to vector<16xi32>
      %and3A_296 = arith.andi %add3A_293, %and3A_295 : vector<16xi32>
      %broadcast_in_dim3A_297 = vector.shape_cast %and3A_296 : vector<16xi32> to vector<16x1xi32>
      %gather3A_298 = vector.shape_cast %broadcast_in_dim3A_297 : vector<16x1xi32> to vector<16xi32>
      %gather3A_299 = tpu.dynamic_gather %get3A_55[%gather3A_298] in [0] : vector<16xi32>, vector<16xi32> -> vector<16xi32>
      %add3A_300 = arith.constant 14 : i32
      %add3A_301 = vector.broadcast %add3A_300 : i32 to vector<16xi32>
      %add3A_302 = arith.addi %iota3A, %add3A_301 : vector<16xi32>
      %lt3A_303 = arith.constant 16 : i32
      %lt3A_304 = vector.broadcast %lt3A_303 : i32 to vector<16xi32>
      %lt3A_305 = arith.cmpi slt, %add3A_302, %lt3A_304 : vector<16xi32>
      %eq3A_306 = arith.cmpi eq, %gather3A_299, %get3A_55 : vector<16xi32>
      %and3A_307 = arith.andi %lt3A_305, %eq3A_306 : vector<16xi1>
      %or3A_308 = arith.ori %or3A_290, %and3A_307 : vector<16xi1>
      %add3A_309 = arith.constant 15 : i32
      %add3A_310 = vector.broadcast %add3A_309 : i32 to vector<16xi32>
      %add3A_311 = arith.addi %iota3A, %add3A_310 : vector<16xi32>
      %and3A_312 = arith.constant 15 : i32
      %and3A_313 = vector.broadcast %and3A_312 : i32 to vector<16xi32>
      %and3A_314 = arith.andi %add3A_311, %and3A_313 : vector<16xi32>
      %broadcast_in_dim3A_315 = vector.shape_cast %and3A_314 : vector<16xi32> to vector<16x1xi32>
      %gather3A_316 = vector.shape_cast %broadcast_in_dim3A_315 : vector<16x1xi32> to vector<16xi32>
      %gather3A_317 = tpu.dynamic_gather %get3A_55[%gather3A_316] in [0] : vector<16xi32>, vector<16xi32> -> vector<16xi32>
      %add3A_318 = arith.constant 15 : i32
      %add3A_319 = vector.broadcast %add3A_318 : i32 to vector<16xi32>
      %add3A_320 = arith.addi %iota3A, %add3A_319 : vector<16xi32>
      %lt3A_321 = arith.constant 16 : i32
      %lt3A_322 = vector.broadcast %lt3A_321 : i32 to vector<16xi32>
      %lt3A_323 = arith.cmpi slt, %add3A_320, %lt3A_322 : vector<16xi32>
      %eq3A_324 = arith.cmpi eq, %gather3A_317, %get3A_55 : vector<16xi32>
      %and3A_325 = arith.andi %lt3A_323, %eq3A_324 : vector<16xi1>
      %or3A_326 = arith.ori %or3A_308, %and3A_325 : vector<16xi1>
      %not3A = arith.constant dense<true> : vector<16xi1>
      %not3A_327 = arith.xori %or3A_326, %not3A : vector<16xi1>
      %and3A_328 = arith.andi %lt3A_59, %not3A_327 : vector<16xi1>
      tpu.vector_store_idx %arg10[%get3A_55], %add3A_57 masked %and3A_328 : memref<8968xi32, #tpu.memory_space<vmem>>[vector<16xi32>], vector<16xi32>, vector<16xi1>
      %scan3A_329 = arith.constant 0 : i32
      scf.yield %scan3A_329 : i32
    }
    %scan3A_10 = arith.constant 20 : i32
    %mul3A_11 = arith.constant 8960 : i32
    %mul3A_12 = arith.muli %arg1, %mul3A_11 : i32
    "tpu.region"() ({
      %run_scoped3A = tpu.sem_alloc : memref<!tpu.dma_semaphore, #tpu.memory_space<semaphore_mem>>
      %dma_start3A = arith.constant 0 : i32
      %dma_start3A_46 = tpu.memref_slice %arg10[%dma_start3A] : memref<8968xi32, #tpu.memory_space<vmem>> -> memref<8960xi32, #tpu.memory_space<vmem>>
      %dma_start3A_47 = tpu.memref_slice %arg11[%mul3A_12] : memref<143360xi32, #tpu.memory_space<vmem_shared>> -> memref<8960xi32, #tpu.memory_space<vmem_shared>>
      %dma_start3A_48 = tpu.memref_slice %arg11[%mul3A_12] : memref<143360xi32, #tpu.memory_space<vmem_shared>> -> memref<8960xi32, #tpu.memory_space<vmem_shared>>
      %dma_start3A_49 = arith.constant 0 : i32
      %dma_start3A_50 = tpu.memref_slice %arg10[%dma_start3A_49] : memref<8968xi32, #tpu.memory_space<vmem>> -> memref<8960xi32, #tpu.memory_space<vmem>>
      tpu.enqueue_dma source(%dma_start3A_50 : memref<8960xi32, #tpu.memory_space<vmem>>) target(%dma_start3A_48 : memref<8960xi32, #tpu.memory_space<vmem_shared>>) target_semaphore(%run_scoped3A : memref<!tpu.dma_semaphore, #tpu.memory_space<semaphore_mem>>)
      %dma_wait3A = arith.constant 0 : i32
      %dma_wait3A_51 = tpu.memref_slice %arg10[%dma_wait3A] : memref<8968xi32, #tpu.memory_space<vmem>> -> memref<8960xi32, #tpu.memory_space<vmem>>
      %dma_wait3A_52 = tpu.memref_slice %arg11[%mul3A_12] : memref<143360xi32, #tpu.memory_space<vmem_shared>> -> memref<8960xi32, #tpu.memory_space<vmem_shared>>
      %dma_wait3A_53 = tpu.memref_slice %arg11[%mul3A_12] : memref<143360xi32, #tpu.memory_space<vmem_shared>> -> memref<8960xi32, #tpu.memory_space<vmem_shared>>
      %dma_wait3A_54 = arith.constant 0 : i32
      %dma_wait3A_55 = tpu.memref_slice %arg10[%dma_wait3A_54] : memref<8968xi32, #tpu.memory_space<vmem>> -> memref<8960xi32, #tpu.memory_space<vmem>>
      tpu.wait_dma2 semaphore(%run_scoped3A : memref<!tpu.dma_semaphore, #tpu.memory_space<semaphore_mem>>) src(%dma_wait3A_55 : memref<8960xi32, #tpu.memory_space<vmem>>) dst(%dma_wait3A_53 : memref<8960xi32, #tpu.memory_space<vmem_shared>>)
      tpu.yield
    }) : () -> ()
    %barrier3A = arith.constant 0 : index
    tpu.barrier barrier_id(%barrier3A)
    %mul3A_13 = arith.constant 560 : i32
    %mul3A_14 = arith.muli %arg1, %mul3A_13 : i32
    "tpu.region"() ({
      %run_scoped3A = tpu.sem_alloc : memref<!tpu.dma_semaphore, #tpu.memory_space<semaphore_mem>>
      %dma_start3A = tpu.memref_slice %arg11[%mul3A_14] : memref<143360xi32, #tpu.memory_space<vmem_shared>> -> memref<560xi32, #tpu.memory_space<vmem_shared>>
      %dma_start3A_46 = tpu.memref_slice %arg11[%mul3A_14] : memref<143360xi32, #tpu.memory_space<vmem_shared>> -> memref<560xi32, #tpu.memory_space<vmem_shared>>
      tpu.enqueue_dma source(%dma_start3A_46 : memref<560xi32, #tpu.memory_space<vmem_shared>>) target(%arg17 : memref<560xi32, #tpu.memory_space<vmem>>) target_semaphore(%run_scoped3A : memref<!tpu.dma_semaphore, #tpu.memory_space<semaphore_mem>>)
      %dma_wait3A = tpu.memref_slice %arg11[%mul3A_14] : memref<143360xi32, #tpu.memory_space<vmem_shared>> -> memref<560xi32, #tpu.memory_space<vmem_shared>>
      %dma_wait3A_47 = tpu.memref_slice %arg11[%mul3A_14] : memref<143360xi32, #tpu.memory_space<vmem_shared>> -> memref<560xi32, #tpu.memory_space<vmem_shared>>
      tpu.wait_dma2 semaphore(%run_scoped3A : memref<!tpu.dma_semaphore, #tpu.memory_space<semaphore_mem>>) src(%dma_wait3A_47 : memref<560xi32, #tpu.memory_space<vmem_shared>>) dst(%arg17 : memref<560xi32, #tpu.memory_space<vmem>>)
      tpu.yield
    }) : () -> ()
    %scan3A_15 = arith.constant 0 : i32
    %scan3A_16 = arith.constant 1 : i32
    %scan3A_17 = arith.constant 15 : i32
    %scan3A_18 = arith.addi %scan3A_16, %scan3A_17 : i32
    %scan3A_19 = arith.constant 1 : i32
    %scan3A_20 = scf.for %scan3A_46 = %scan3A_16 to %scan3A_18 step %scan3A_19 iter_args(%scan3A_47 = %scan3A_15) -> (i32)  : i32 {
      %mul3A_48 = arith.constant 8960 : i32
      %mul3A_49 = arith.muli %scan3A_46, %mul3A_48 : i32
      %mul3A_50 = arith.constant 560 : i32
      %mul3A_51 = arith.muli %arg1, %mul3A_50 : i32
      %add3A_52 = arith.addi %mul3A_49, %mul3A_51 : i32
      "tpu.region"() ({
        %run_scoped3A = tpu.sem_alloc : memref<!tpu.dma_semaphore, #tpu.memory_space<semaphore_mem>>
        %dma_start3A = tpu.memref_slice %arg11[%add3A_52] : memref<143360xi32, #tpu.memory_space<vmem_shared>> -> memref<560xi32, #tpu.memory_space<vmem_shared>>
        %dma_start3A_61 = tpu.memref_slice %arg11[%add3A_52] : memref<143360xi32, #tpu.memory_space<vmem_shared>> -> memref<560xi32, #tpu.memory_space<vmem_shared>>
        tpu.enqueue_dma source(%dma_start3A_61 : memref<560xi32, #tpu.memory_space<vmem_shared>>) target(%arg18 : memref<560xi32, #tpu.memory_space<vmem>>) target_semaphore(%run_scoped3A : memref<!tpu.dma_semaphore, #tpu.memory_space<semaphore_mem>>)
        %dma_wait3A = tpu.memref_slice %arg11[%add3A_52] : memref<143360xi32, #tpu.memory_space<vmem_shared>> -> memref<560xi32, #tpu.memory_space<vmem_shared>>
        %dma_wait3A_62 = tpu.memref_slice %arg11[%add3A_52] : memref<143360xi32, #tpu.memory_space<vmem_shared>> -> memref<560xi32, #tpu.memory_space<vmem_shared>>
        tpu.wait_dma2 semaphore(%run_scoped3A : memref<!tpu.dma_semaphore, #tpu.memory_space<semaphore_mem>>) src(%dma_wait3A_62 : memref<560xi32, #tpu.memory_space<vmem_shared>>) dst(%arg18 : memref<560xi32, #tpu.memory_space<vmem>>)
        tpu.yield
      }) : () -> ()
      %scan3A_53 = arith.constant 0 : i32
      %scan3A_54 = arith.constant 0 : i32
      %scan3A_55 = arith.constant 35 : i32
      %scan3A_56 = arith.addi %scan3A_54, %scan3A_55 : i32
      %scan3A_57 = arith.constant 1 : i32
      %scan3A_58 = scf.for %scan3A_61 = %scan3A_54 to %scan3A_56 step %scan3A_57 iter_args(%scan3A_62 = %scan3A_53) -> (i32)  : i32 {
        %mul3A_63 = arith.constant 16 : i32
        %mul3A_64 = arith.muli %scan3A_61, %mul3A_63 : i32
        %get3A = arith.index_cast %mul3A_64 : i32 to index
        %get3A_65 = tpu.vector_load %arg17[%get3A] {strides = array<i32>} : memref<560xi32, #tpu.memory_space<vmem>>, vector<16xi32>,
        %get3A_66 = arith.index_cast %mul3A_64 : i32 to index
        %get3A_67 = tpu.vector_load %arg18[%get3A_66] {strides = array<i32>} : memref<560xi32, #tpu.memory_space<vmem>>, vector<16xi32>,
        %max3A = arith.maxsi %get3A_65, %get3A_67 : vector<16xi32>
        %swap3A = arith.index_cast %mul3A_64 : i32 to index
        %swap3A_68 = tpu.vector_load %arg17[%swap3A] {strides = array<i32>} : memref<560xi32, #tpu.memory_space<vmem>>, vector<16xi32>,
        tpu.vector_store %arg17[%swap3A], %max3A {strides = array<i32>} : memref<560xi32, #tpu.memory_space<vmem>>, vector<16xi32>,
        %scan3A_69 = arith.constant 0 : i32
        scf.yield %scan3A_69 : i32
      }
      %scan3A_59 = arith.constant 35 : i32
      %scan3A_60 = arith.constant 0 : i32
      scf.yield %scan3A_60 : i32
    }
    %scan3A_21 = arith.constant 15 : i32
    %scan3A_22 = arith.constant 0 : i32
    %scan3A_23 = arith.constant 0 : i32
    %scan3A_24 = arith.constant 35 : i32
    %scan3A_25 = arith.addi %scan3A_23, %scan3A_24 : i32
    %scan3A_26 = arith.constant 1 : i32
    %scan3A_27 = scf.for %scan3A_46 = %scan3A_23 to %scan3A_25 step %scan3A_26 iter_args(%scan3A_47 = %scan3A_22) -> (i32)  : i32 {
      %mul3A_48 = arith.constant 16 : i32
      %mul3A_49 = arith.muli %scan3A_46, %mul3A_48 : i32
      %get3A = arith.index_cast %mul3A_49 : i32 to index
      %get3A_50 = tpu.vector_load %arg17[%get3A] {strides = array<i32>} : memref<560xi32, #tpu.memory_space<vmem>>, vector<16xi32>,
      %ge3A = arith.constant 0 : i32
      %ge3A_51 = vector.broadcast %ge3A : i32 to vector<16xi32>
      %ge3A_52 = arith.cmpi sge, %get3A_50, %ge3A_51 : vector<16xi32>
      %get3A_53 = arith.index_cast %mul3A_49 : i32 to index
      %get3A_54 = tpu.vector_load %arg15[%get3A_53] {strides = array<i32>} : memref<560xi32, #tpu.memory_space<vmem>>, vector<16xi32>,
      %select_n3A = arith.select %ge3A_52, %get3A_50, %get3A_54 : vector<16xi1>, vector<16xi32>
      %max3A = arith.constant 0 : i32
      %max3A_55 = vector.broadcast %max3A : i32 to vector<16xi32>
      %max3A_56 = arith.maxsi %select_n3A, %max3A_55 : vector<16xi32>
      %min3A = arith.constant 4999 : i32
      %min3A_57 = vector.broadcast %min3A : i32 to vector<16xi32>
      %min3A_58 = arith.minsi %max3A_56, %min3A_57 : vector<16xi32>
      %gather3A = tpu.vector_load_idx %arg14[%min3A_58] : memref<5000xi32, #tpu.memory_space<vmem>>[vector<16xi32>], vector<16xi32>,
      %not3A = arith.constant dense<true> : vector<16xi1>
      %not3A_59 = arith.xori %ge3A_52, %not3A : vector<16xi1>
      %get3A_60 = arith.index_cast %mul3A_49 : i32 to index
      %get3A_61 = tpu.vector_load %arg16[%get3A_60] {strides = array<i32>} : memref<560xf32, #tpu.memory_space<vmem>>, vector<16xf32>,
      %lt3A = arith.constant 5.000000e-01 : f32
      %lt3A_62 = vector.broadcast %lt3A : f32 to vector<16xf32>
      %lt3A_63 = arith.cmpf olt, %get3A_61, %lt3A_62 : vector<16xf32>
      %and3A = arith.andi %not3A_59, %lt3A_63 : vector<16xi1>
      %jit3A = arith.constant 0 : i32
      %broadcast_in_dim3A = vector.broadcast %jit3A : i32 to vector<16xi32>
      %select_n3A_64 = arith.select %and3A, %broadcast_in_dim3A, %gather3A : vector<16xi1>, vector<16xi32>
      %swap3A = arith.index_cast %mul3A_49 : i32 to index
      %swap3A_65 = tpu.vector_load %arg19[%swap3A] {strides = array<i32>} : memref<560xi32, #tpu.memory_space<vmem>>, vector<16xi32>,
      tpu.vector_store %arg19[%swap3A], %select_n3A_64 {strides = array<i32>} : memref<560xi32, #tpu.memory_space<vmem>>, vector<16xi32>,
      %mul3A_66 = arith.constant 4 : i32
      %mul3A_67 = vector.broadcast %mul3A_66 : i32 to vector<16xi32>
      %mul3A_68 = arith.muli %min3A_58, %mul3A_67 : vector<16xi32>
      %add3A_69 = arith.constant 0 : i32
      %add3A_70 = vector.broadcast %add3A_69 : i32 to vector<16xi32>
      %add3A_71 = arith.addi %mul3A_68, %add3A_70 : vector<16xi32>
      %gather3A_72 = tpu.vector_load_idx %arg13[%add3A_71] : memref<20000xf32, #tpu.memory_space<vmem>>[vector<16xi32>], vector<16xf32>,
      %mul3A_73 = arith.constant 16 : i32
      %mul3A_74 = arith.muli %scan3A_46, %mul3A_73 : i32
      %add3A_75 = arith.constant 0 : i32
      %add3A_76 = arith.addi %add3A_75, %mul3A_74 : i32
      %swap3A_77 = arith.index_cast %add3A_76 : i32 to index
      %swap3A_78 = tpu.vector_load %arg20[%swap3A_77] {strides = array<i32>} : memref<2240xf32, #tpu.memory_space<vmem>>, vector<16xf32>,
      tpu.vector_store %arg20[%swap3A_77], %gather3A_72 {strides = array<i32>} : memref<2240xf32, #tpu.memory_space<vmem>>, vector<16xf32>,
      %mul3A_79 = arith.constant 4 : i32
      %mul3A_80 = vector.broadcast %mul3A_79 : i32 to vector<16xi32>
      %mul3A_81 = arith.muli %min3A_58, %mul3A_80 : vector<16xi32>
      %add3A_82 = arith.constant 1 : i32
      %add3A_83 = vector.broadcast %add3A_82 : i32 to vector<16xi32>
      %add3A_84 = arith.addi %mul3A_81, %add3A_83 : vector<16xi32>
      %gather3A_85 = tpu.vector_load_idx %arg13[%add3A_84] : memref<20000xf32, #tpu.memory_space<vmem>>[vector<16xi32>], vector<16xf32>,
      %mul3A_86 = arith.constant 16 : i32
      %mul3A_87 = arith.muli %scan3A_46, %mul3A_86 : i32
      %add3A_88 = arith.constant 560 : i32
      %add3A_89 = arith.addi %add3A_88, %mul3A_87 : i32
      %swap3A_90 = arith.index_cast %add3A_89 : i32 to index
      %swap3A_91 = tpu.vector_load %arg20[%swap3A_90] {strides = array<i32>} : memref<2240xf32, #tpu.memory_space<vmem>>, vector<16xf32>,
      tpu.vector_store %arg20[%swap3A_90], %gather3A_85 {strides = array<i32>} : memref<2240xf32, #tpu.memory_space<vmem>>, vector<16xf32>,
      %mul3A_92 = arith.constant 4 : i32
      %mul3A_93 = vector.broadcast %mul3A_92 : i32 to vector<16xi32>
      %mul3A_94 = arith.muli %min3A_58, %mul3A_93 : vector<16xi32>
      %add3A_95 = arith.constant 2 : i32
      %add3A_96 = vector.broadcast %add3A_95 : i32 to vector<16xi32>
      %add3A_97 = arith.addi %mul3A_94, %add3A_96 : vector<16xi32>
      %gather3A_98 = tpu.vector_load_idx %arg13[%add3A_97] : memref<20000xf32, #tpu.memory_space<vmem>>[vector<16xi32>], vector<16xf32>,
      %mul3A_99 = arith.constant 16 : i32
      %mul3A_100 = arith.muli %scan3A_46, %mul3A_99 : i32
      %add3A_101 = arith.constant 1120 : i32
      %add3A_102 = arith.addi %add3A_101, %mul3A_100 : i32
      %swap3A_103 = arith.index_cast %add3A_102 : i32 to index
      %swap3A_104 = tpu.vector_load %arg20[%swap3A_103] {strides = array<i32>} : memref<2240xf32, #tpu.memory_space<vmem>>, vector<16xf32>,
      tpu.vector_store %arg20[%swap3A_103], %gather3A_98 {strides = array<i32>} : memref<2240xf32, #tpu.memory_space<vmem>>, vector<16xf32>,
      %mul3A_105 = arith.constant 4 : i32
      %mul3A_106 = vector.broadcast %mul3A_105 : i32 to vector<16xi32>
      %mul3A_107 = arith.muli %min3A_58, %mul3A_106 : vector<16xi32>
      %add3A_108 = arith.constant 3 : i32
      %add3A_109 = vector.broadcast %add3A_108 : i32 to vector<16xi32>
      %add3A_110 = arith.addi %mul3A_107, %add3A_109 : vector<16xi32>
      %gather3A_111 = tpu.vector_load_idx %arg13[%add3A_110] : memref<20000xf32, #tpu.memory_space<vmem>>[vector<16xi32>], vector<16xf32>,
      %mul3A_112 = arith.constant 16 : i32
      %mul3A_113 = arith.muli %scan3A_46, %mul3A_112 : i32
      %add3A_114 = arith.constant 1680 : i32
      %add3A_115 = arith.addi %add3A_114, %mul3A_113 : i32
      %swap3A_116 = arith.index_cast %add3A_115 : i32 to index
      %swap3A_117 = tpu.vector_load %arg20[%swap3A_116] {strides = array<i32>} : memref<2240xf32, #tpu.memory_space<vmem>>, vector<16xf32>,
      tpu.vector_store %arg20[%swap3A_116], %gather3A_111 {strides = array<i32>} : memref<2240xf32, #tpu.memory_space<vmem>>, vector<16xf32>,
      %scan3A_118 = arith.constant 0 : i32
      scf.yield %scan3A_118 : i32
    }
    %scan3A_28 = arith.constant 35 : i32
    %mul3A_29 = arith.constant 560 : i32
    %mul3A_30 = arith.muli %arg1, %mul3A_29 : i32
    "tpu.region"() ({
      %run_scoped3A = tpu.sem_alloc : memref<!tpu.dma_semaphore, #tpu.memory_space<semaphore_mem>>
      %dma_start3A = tpu.memref_slice %arg8[%mul3A_30] : memref<8960xi32, #tpu.memory_space<hbm>> -> memref<560xi32, #tpu.memory_space<hbm>>
      %dma_start3A_46 = tpu.memref_slice %arg8[%mul3A_30] : memref<8960xi32, #tpu.memory_space<hbm>> -> memref<560xi32, #tpu.memory_space<hbm>>
      tpu.enqueue_dma source(%arg19 : memref<560xi32, #tpu.memory_space<vmem>>) target(%dma_start3A_46 : memref<560xi32, #tpu.memory_space<hbm>>) target_semaphore(%run_scoped3A : memref<!tpu.dma_semaphore, #tpu.memory_space<semaphore_mem>>)
      %dma_wait3A = tpu.memref_slice %arg8[%mul3A_30] : memref<8960xi32, #tpu.memory_space<hbm>> -> memref<560xi32, #tpu.memory_space<hbm>>
      %dma_wait3A_47 = tpu.memref_slice %arg8[%mul3A_30] : memref<8960xi32, #tpu.memory_space<hbm>> -> memref<560xi32, #tpu.memory_space<hbm>>
      tpu.wait_dma2 semaphore(%run_scoped3A : memref<!tpu.dma_semaphore, #tpu.memory_space<semaphore_mem>>) src(%arg19 : memref<560xi32, #tpu.memory_space<vmem>>) dst(%dma_wait3A_47 : memref<560xi32, #tpu.memory_space<hbm>>)
      tpu.yield
    }) : () -> ()
    %mul3A_31 = arith.constant 560 : i32
    %mul3A_32 = arith.muli %arg1, %mul3A_31 : i32
    %add3A = arith.constant 0 : i32
    %add3A_33 = arith.addi %add3A, %mul3A_32 : i32
    "tpu.region"() ({
      %run_scoped3A = tpu.sem_alloc : memref<!tpu.dma_semaphore, #tpu.memory_space<semaphore_mem>>
      %dma_start3A = arith.constant 0 : i32
      %dma_start3A_46 = tpu.memref_slice %arg20[%dma_start3A] : memref<2240xf32, #tpu.memory_space<vmem>> -> memref<560xf32, #tpu.memory_space<vmem>>
      %dma_start3A_47 = tpu.memref_slice %arg9[%add3A_33] : memref<35840xf32, #tpu.memory_space<hbm>> -> memref<560xf32, #tpu.memory_space<hbm>>
      %dma_start3A_48 = tpu.memref_slice %arg9[%add3A_33] : memref<35840xf32, #tpu.memory_space<hbm>> -> memref<560xf32, #tpu.memory_space<hbm>>
      %dma_start3A_49 = arith.constant 0 : i32
      %dma_start3A_50 = tpu.memref_slice %arg20[%dma_start3A_49] : memref<2240xf32, #tpu.memory_space<vmem>> -> memref<560xf32, #tpu.memory_space<vmem>>
      tpu.enqueue_dma source(%dma_start3A_50 : memref<560xf32, #tpu.memory_space<vmem>>) target(%dma_start3A_48 : memref<560xf32, #tpu.memory_space<hbm>>) target_semaphore(%run_scoped3A : memref<!tpu.dma_semaphore, #tpu.memory_space<semaphore_mem>>)
      %dma_wait3A = arith.constant 0 : i32
      %dma_wait3A_51 = tpu.memref_slice %arg20[%dma_wait3A] : memref<2240xf32, #tpu.memory_space<vmem>> -> memref<560xf32, #tpu.memory_space<vmem>>
      %dma_wait3A_52 = tpu.memref_slice %arg9[%add3A_33] : memref<35840xf32, #tpu.memory_space<hbm>> -> memref<560xf32, #tpu.memory_space<hbm>>
      %dma_wait3A_53 = tpu.memref_slice %arg9[%add3A_33] : memref<35840xf32, #tpu.memory_space<hbm>> -> memref<560xf32, #tpu.memory_space<hbm>>
      %dma_wait3A_54 = arith.constant 0 : i32
      %dma_wait3A_55 = tpu.memref_slice %arg20[%dma_wait3A_54] : memref<2240xf32, #tpu.memory_space<vmem>> -> memref<560xf32, #tpu.memory_space<vmem>>
      tpu.wait_dma2 semaphore(%run_scoped3A : memref<!tpu.dma_semaphore, #tpu.memory_space<semaphore_mem>>) src(%dma_wait3A_55 : memref<560xf32, #tpu.memory_space<vmem>>) dst(%dma_wait3A_53 : memref<560xf32, #tpu.memory_space<hbm>>)
      tpu.yield
    }) : () -> ()
    %mul3A_34 = arith.constant 560 : i32
    %mul3A_35 = arith.muli %arg1, %mul3A_34 : i32
    %add3A_36 = arith.constant 8960 : i32
    %add3A_37 = arith.addi %add3A_36, %mul3A_35 : i32
    "tpu.region"() ({
      %run_scoped3A = tpu.sem_alloc : memref<!tpu.dma_semaphore, #tpu.memory_space<semaphore_mem>>
      %dma_start3A = arith.constant 560 : i32
      %dma_start3A_46 = tpu.memref_slice %arg20[%dma_start3A] : memref<2240xf32, #tpu.memory_space<vmem>> -> memref<560xf32, #tpu.memory_space<vmem>>
      %dma_start3A_47 = tpu.memref_slice %arg9[%add3A_37] : memref<35840xf32, #tpu.memory_space<hbm>> -> memref<560xf32, #tpu.memory_space<hbm>>
      %dma_start3A_48 = tpu.memref_slice %arg9[%add3A_37] : memref<35840xf32, #tpu.memory_space<hbm>> -> memref<560xf32, #tpu.memory_space<hbm>>
      %dma_start3A_49 = arith.constant 560 : i32
      %dma_start3A_50 = tpu.memref_slice %arg20[%dma_start3A_49] : memref<2240xf32, #tpu.memory_space<vmem>> -> memref<560xf32, #tpu.memory_space<vmem>>
      tpu.enqueue_dma source(%dma_start3A_50 : memref<560xf32, #tpu.memory_space<vmem>>) target(%dma_start3A_48 : memref<560xf32, #tpu.memory_space<hbm>>) target_semaphore(%run_scoped3A : memref<!tpu.dma_semaphore, #tpu.memory_space<semaphore_mem>>)
      %dma_wait3A = arith.constant 560 : i32
      %dma_wait3A_51 = tpu.memref_slice %arg20[%dma_wait3A] : memref<2240xf32, #tpu.memory_space<vmem>> -> memref<560xf32, #tpu.memory_space<vmem>>
      %dma_wait3A_52 = tpu.memref_slice %arg9[%add3A_37] : memref<35840xf32, #tpu.memory_space<hbm>> -> memref<560xf32, #tpu.memory_space<hbm>>
      %dma_wait3A_53 = tpu.memref_slice %arg9[%add3A_37] : memref<35840xf32, #tpu.memory_space<hbm>> -> memref<560xf32, #tpu.memory_space<hbm>>
      %dma_wait3A_54 = arith.constant 560 : i32
      %dma_wait3A_55 = tpu.memref_slice %arg20[%dma_wait3A_54] : memref<2240xf32, #tpu.memory_space<vmem>> -> memref<560xf32, #tpu.memory_space<vmem>>
      tpu.wait_dma2 semaphore(%run_scoped3A : memref<!tpu.dma_semaphore, #tpu.memory_space<semaphore_mem>>) src(%dma_wait3A_55 : memref<560xf32, #tpu.memory_space<vmem>>) dst(%dma_wait3A_53 : memref<560xf32, #tpu.memory_space<hbm>>)
      tpu.yield
    }) : () -> ()
    %mul3A_38 = arith.constant 560 : i32
    %mul3A_39 = arith.muli %arg1, %mul3A_38 : i32
    %add3A_40 = arith.constant 17920 : i32
    %add3A_41 = arith.addi %add3A_40, %mul3A_39 : i32
    "tpu.region"() ({
      %run_scoped3A = tpu.sem_alloc : memref<!tpu.dma_semaphore, #tpu.memory_space<semaphore_mem>>
      %dma_start3A = arith.constant 1120 : i32
      %dma_start3A_46 = tpu.memref_slice %arg20[%dma_start3A] : memref<2240xf32, #tpu.memory_space<vmem>> -> memref<560xf32, #tpu.memory_space<vmem>>
      %dma_start3A_47 = tpu.memref_slice %arg9[%add3A_41] : memref<35840xf32, #tpu.memory_space<hbm>> -> memref<560xf32, #tpu.memory_space<hbm>>
      %dma_start3A_48 = tpu.memref_slice %arg9[%add3A_41] : memref<35840xf32, #tpu.memory_space<hbm>> -> memref<560xf32, #tpu.memory_space<hbm>>
      %dma_start3A_49 = arith.constant 1120 : i32
      %dma_start3A_50 = tpu.memref_slice %arg20[%dma_start3A_49] : memref<2240xf32, #tpu.memory_space<vmem>> -> memref<560xf32, #tpu.memory_space<vmem>>
      tpu.enqueue_dma source(%dma_start3A_50 : memref<560xf32, #tpu.memory_space<vmem>>) target(%dma_start3A_48 : memref<560xf32, #tpu.memory_space<hbm>>) target_semaphore(%run_scoped3A : memref<!tpu.dma_semaphore, #tpu.memory_space<semaphore_mem>>)
      %dma_wait3A = arith.constant 1120 : i32
      %dma_wait3A_51 = tpu.memref_slice %arg20[%dma_wait3A] : memref<2240xf32, #tpu.memory_space<vmem>> -> memref<560xf32, #tpu.memory_space<vmem>>
      %dma_wait3A_52 = tpu.memref_slice %arg9[%add3A_41] : memref<35840xf32, #tpu.memory_space<hbm>> -> memref<560xf32, #tpu.memory_space<hbm>>
      %dma_wait3A_53 = tpu.memref_slice %arg9[%add3A_41] : memref<35840xf32, #tpu.memory_space<hbm>> -> memref<560xf32, #tpu.memory_space<hbm>>
      %dma_wait3A_54 = arith.constant 1120 : i32
      %dma_wait3A_55 = tpu.memref_slice %arg20[%dma_wait3A_54] : memref<2240xf32, #tpu.memory_space<vmem>> -> memref<560xf32, #tpu.memory_space<vmem>>
      tpu.wait_dma2 semaphore(%run_scoped3A : memref<!tpu.dma_semaphore, #tpu.memory_space<semaphore_mem>>) src(%dma_wait3A_55 : memref<560xf32, #tpu.memory_space<vmem>>) dst(%dma_wait3A_53 : memref<560xf32, #tpu.memory_space<hbm>>)
      tpu.yield
    }) : () -> ()
    %mul3A_42 = arith.constant 560 : i32
    %mul3A_43 = arith.muli %arg1, %mul3A_42 : i32
    %add3A_44 = arith.constant 26880 : i32
    %add3A_45 = arith.addi %add3A_44, %mul3A_43 : i32
    "tpu.region"() ({
      %run_scoped3A = tpu.sem_alloc : memref<!tpu.dma_semaphore, #tpu.memory_space<semaphore_mem>>
      %dma_start3A = arith.constant 1680 : i32
      %dma_start3A_46 = tpu.memref_slice %arg20[%dma_start3A] : memref<2240xf32, #tpu.memory_space<vmem>> -> memref<560xf32, #tpu.memory_space<vmem>>
      %dma_start3A_47 = tpu.memref_slice %arg9[%add3A_45] : memref<35840xf32, #tpu.memory_space<hbm>> -> memref<560xf32, #tpu.memory_space<hbm>>
      %dma_start3A_48 = tpu.memref_slice %arg9[%add3A_45] : memref<35840xf32, #tpu.memory_space<hbm>> -> memref<560xf32, #tpu.memory_space<hbm>>
      %dma_start3A_49 = arith.constant 1680 : i32
      %dma_start3A_50 = tpu.memref_slice %arg20[%dma_start3A_49] : memref<2240xf32, #tpu.memory_space<vmem>> -> memref<560xf32, #tpu.memory_space<vmem>>
      tpu.enqueue_dma source(%dma_start3A_50 : memref<560xf32, #tpu.memory_space<vmem>>) target(%dma_start3A_48 : memref<560xf32, #tpu.memory_space<hbm>>) target_semaphore(%run_scoped3A : memref<!tpu.dma_semaphore, #tpu.memory_space<semaphore_mem>>)
      %dma_wait3A = arith.constant 1680 : i32
      %dma_wait3A_51 = tpu.memref_slice %arg20[%dma_wait3A] : memref<2240xf32, #tpu.memory_space<vmem>> -> memref<560xf32, #tpu.memory_space<vmem>>
      %dma_wait3A_52 = tpu.memref_slice %arg9[%add3A_45] : memref<35840xf32, #tpu.memory_space<hbm>> -> memref<560xf32, #tpu.memory_space<hbm>>
      %dma_wait3A_53 = tpu.memref_slice %arg9[%add3A_45] : memref<35840xf32, #tpu.memory_space<hbm>> -> memref<560xf32, #tpu.memory_space<hbm>>
      %dma_wait3A_54 = arith.constant 1680 : i32
      %dma_wait3A_55 = tpu.memref_slice %arg20[%dma_wait3A_54] : memref<2240xf32, #tpu.memory_space<vmem>> -> memref<560xf32, #tpu.memory_space<vmem>>
      tpu.wait_dma2 semaphore(%run_scoped3A : memref<!tpu.dma_semaphore, #tpu.memory_space<semaphore_mem>>) src(%dma_wait3A_55 : memref<560xf32, #tpu.memory_space<vmem>>) dst(%dma_wait3A_53 : memref<560xf32, #tpu.memory_space<hbm>>)
      tpu.yield
    }) : () -> ()
    return
  }
}

module attributes {stable_mosaic.version = 14 : i64} {
  func.func @_iou_argmax_body(%arg0: i32, %arg1: memref<256x1xf32, #tpu.memory_space<vmem>>, %arg2: memref<256x1xf32, #tpu.memory_space<vmem>>, %arg3: memref<256x1xf32, #tpu.memory_space<vmem>>, %arg4: memref<256x1xf32, #tpu.memory_space<vmem>>, %arg5: memref<256x1xf32, #tpu.memory_space<vmem>>, %arg6: memref<1x5120xf32, #tpu.memory_space<vmem>>, %arg7: memref<1x5120xf32, #tpu.memory_space<vmem>>, %arg8: memref<1x5120xf32, #tpu.memory_space<vmem>>, %arg9: memref<1x5120xf32, #tpu.memory_space<vmem>>, %arg10: memref<1x5120xf32, #tpu.memory_space<vmem>>, %arg11: memref<256x1xf32, #tpu.memory_space<vmem>>, %arg12: memref<256x1xf32, #tpu.memory_space<vmem>>, %arg13: memref<1x5120xf32, #tpu.memory_space<vmem>>, %arg14: memref<1x5120xf32, #tpu.memory_space<vmem>>, %arg15: memref<1x5120xf32, #tpu.memory_space<vmem>>, %arg16: memref<1x5120xf32, #tpu.memory_space<vmem>>) attributes {dimension_semantics = [#tpu.dimension_semantics<arbitrary>], iteration_bounds = array<i64: 35>, scalar_prefetch = 0 : i64, scratch_operands = 2 : i64, tpu.core_type = #tpu.core_type<tc>, window_params = [{transform_indices = @transform_0, window_bounds = array<i64: 256, 1>}, {transform_indices = @transform_1, window_bounds = array<i64: 256, 1>}, {transform_indices = @transform_2, window_bounds = array<i64: 256, 1>}, {transform_indices = @transform_3, window_bounds = array<i64: 256, 1>}, {transform_indices = @transform_4, window_bounds = array<i64: 256, 1>}, {pipeline_mode = #tpu.pipeline_mode<synchronous>, transform_indices = @transform_5, window_bounds = array<i64: 1, 5120>}, {pipeline_mode = #tpu.pipeline_mode<synchronous>, transform_indices = @transform_6, window_bounds = array<i64: 1, 5120>}, {pipeline_mode = #tpu.pipeline_mode<synchronous>, transform_indices = @transform_7, window_bounds = array<i64: 1, 5120>}, {pipeline_mode = #tpu.pipeline_mode<synchronous>, transform_indices = @transform_8, window_bounds = array<i64: 1, 5120>}, {pipeline_mode = #tpu.pipeline_mode<synchronous>, transform_indices = @transform_9, window_bounds = array<i64: 1, 5120>}, {transform_indices = @transform_10, window_bounds = array<i64: 256, 1>}, {transform_indices = @transform_11, window_bounds = array<i64: 256, 1>}, {pipeline_mode = #tpu.pipeline_mode<synchronous>, transform_indices = @transform_12, window_bounds = array<i64: 1, 5120>}, {pipeline_mode = #tpu.pipeline_mode<synchronous>, transform_indices = @transform_13, window_bounds = array<i64: 1, 5120>}]} {
    %eq3A = arith.constant 0 : i32
    %eq3A_0 = arith.cmpi eq, %arg0, %eq3A : i32
    %convert_element_type3A = arith.extui %eq3A_0 : i1 to i32
    %cond3A = arith.constant 0 : i32
    %cond3A_1 = arith.cmpi ne, %convert_element_type3A, %cond3A : i32
    scf.if %cond3A_1 {
      %broadcast_in_dim3A_488 = arith.constant -1.000000e+00 : f32
      %broadcast_in_dim3A_489 = vector.broadcast %broadcast_in_dim3A_488 : f32 to vector<1x5120xf32>
      %swap3A_490 = arith.constant 0 : index
      %swap3A_491 = arith.constant 0 : index
      %swap3A_492 = vector.load %arg15[%swap3A_490, %swap3A_491] : memref<1x5120xf32, #tpu.memory_space<vmem>>, vector<1x5120xf32>
      tpu.vector_store %arg15[%swap3A_490, %swap3A_491], %broadcast_in_dim3A_489 {strides = array<i32>} : memref<1x5120xf32, #tpu.memory_space<vmem>>, vector<1x5120xf32>,
      %broadcast_in_dim3A_493 = arith.constant 0.000000e+00 : f32
      %broadcast_in_dim3A_494 = vector.broadcast %broadcast_in_dim3A_493 : f32 to vector<1x5120xf32>
      %swap3A_495 = arith.constant 0 : index
      %swap3A_496 = arith.constant 0 : index
      %swap3A_497 = vector.load %arg16[%swap3A_495, %swap3A_496] : memref<1x5120xf32, #tpu.memory_space<vmem>>, vector<1x5120xf32>
      tpu.vector_store %arg16[%swap3A_495, %swap3A_496], %broadcast_in_dim3A_494 {strides = array<i32>} : memref<1x5120xf32, #tpu.memory_space<vmem>>, vector<1x5120xf32>,
    } else {
    }
    %get3A = arith.constant 0 : index
    %get3A_2 = arith.constant 0 : index
    %get3A_3 = vector.load %arg1[%get3A, %get3A_2] : memref<256x1xf32, #tpu.memory_space<vmem>>, vector<256x1xf32>
    %get3A_4 = arith.constant 0 : index
    %get3A_5 = arith.constant 0 : index
    %get3A_6 = vector.load %arg2[%get3A_4, %get3A_5] : memref<256x1xf32, #tpu.memory_space<vmem>>, vector<256x1xf32>
    %get3A_7 = arith.constant 0 : index
    %get3A_8 = arith.constant 0 : index
    %get3A_9 = vector.load %arg3[%get3A_7, %get3A_8] : memref<256x1xf32, #tpu.memory_space<vmem>>, vector<256x1xf32>
    %get3A_10 = arith.constant 0 : index
    %get3A_11 = arith.constant 0 : index
    %get3A_12 = vector.load %arg4[%get3A_10, %get3A_11] : memref<256x1xf32, #tpu.memory_space<vmem>>, vector<256x1xf32>
    %get3A_13 = arith.constant 0 : index
    %get3A_14 = arith.constant 0 : index
    %get3A_15 = vector.load %arg5[%get3A_13, %get3A_14] : memref<256x1xf32, #tpu.memory_space<vmem>>, vector<256x1xf32>
    %broadcast_in_dim3A = arith.constant -1.000000e+00 : f32
    %broadcast_in_dim3A_16 = vector.broadcast %broadcast_in_dim3A : f32 to vector<256x1xf32>
    %broadcast_in_dim3A_17 = arith.constant 0.000000e+00 : f32
    %broadcast_in_dim3A_18 = vector.broadcast %broadcast_in_dim3A_17 : f32 to vector<256x1xf32>
    %iota3A = tpu.iota {dimensions = array<i32: 0>} : vector<256x1xi32>
    %mul3A = arith.constant 256 : i32
    %mul3A_19 = arith.muli %arg0, %mul3A : i32
    %add3A = vector.broadcast %mul3A_19 : i32 to vector<256x1xi32>
    %add3A_20 = arith.addi %iota3A, %add3A : vector<256x1xi32>
    %convert_element_type3A_21 = arith.sitofp %add3A_20 : vector<256x1xi32> to vector<256x1xf32>
    %get3A_22 = arith.constant 0 : index
    %get3A_23 = arith.constant 0 : index
    %get3A_24 = vector.load %arg6[%get3A_22, %get3A_23] : memref<1x5120xf32, #tpu.memory_space<vmem>>, vector<1x1024xf32>
    %get3A_25 = arith.constant 0 : index
    %get3A_26 = arith.constant 0 : index
    %get3A_27 = vector.load %arg7[%get3A_25, %get3A_26] : memref<1x5120xf32, #tpu.memory_space<vmem>>, vector<1x1024xf32>
    %get3A_28 = arith.constant 0 : index
    %get3A_29 = arith.constant 0 : index
    %get3A_30 = vector.load %arg8[%get3A_28, %get3A_29] : memref<1x5120xf32, #tpu.memory_space<vmem>>, vector<1x1024xf32>
    %get3A_31 = arith.constant 0 : index
    %get3A_32 = arith.constant 0 : index
    %get3A_33 = vector.load %arg9[%get3A_31, %get3A_32] : memref<1x5120xf32, #tpu.memory_space<vmem>>, vector<1x1024xf32>
    %get3A_34 = arith.constant 0 : index
    %get3A_35 = arith.constant 0 : index
    %get3A_36 = vector.load %arg10[%get3A_34, %get3A_35] : memref<1x5120xf32, #tpu.memory_space<vmem>>, vector<1x1024xf32>
    %max3A = vector.broadcast %get3A_24 : vector<1x1024xf32> to vector<256x1024xf32>
    %max3A_37 = vector.broadcast %get3A_3 : vector<256x1xf32> to vector<256x1024xf32>
    %max3A_38 = arith.maximumf %max3A, %max3A_37 : vector<256x1024xf32>
    %max3A_39 = vector.broadcast %get3A_27 : vector<1x1024xf32> to vector<256x1024xf32>
    %max3A_40 = vector.broadcast %get3A_6 : vector<256x1xf32> to vector<256x1024xf32>
    %max3A_41 = arith.maximumf %max3A_39, %max3A_40 : vector<256x1024xf32>
    %min3A = vector.broadcast %get3A_30 : vector<1x1024xf32> to vector<256x1024xf32>
    %min3A_42 = vector.broadcast %get3A_9 : vector<256x1xf32> to vector<256x1024xf32>
    %min3A_43 = arith.minimumf %min3A, %min3A_42 : vector<256x1024xf32>
    %min3A_44 = vector.broadcast %get3A_33 : vector<1x1024xf32> to vector<256x1024xf32>
    %min3A_45 = vector.broadcast %get3A_12 : vector<256x1xf32> to vector<256x1024xf32>
    %min3A_46 = arith.minimumf %min3A_44, %min3A_45 : vector<256x1024xf32>
    %sub3A = arith.subf %min3A_43, %max3A_38 : vector<256x1024xf32>
    %jit3A = arith.constant 0.000000e+00 : f32
    %max3A_47 = vector.broadcast %jit3A : f32 to vector<256x1024xf32>
    %max3A_48 = arith.maximumf %max3A_47, %sub3A : vector<256x1024xf32>
    %sub3A_49 = arith.subf %min3A_46, %max3A_41 : vector<256x1024xf32>
    %jit3A_50 = arith.constant 0.000000e+00 : f32
    %max3A_51 = vector.broadcast %jit3A_50 : f32 to vector<256x1024xf32>
    %max3A_52 = arith.maximumf %max3A_51, %sub3A_49 : vector<256x1024xf32>
    %mul3A_53 = arith.mulf %max3A_48, %max3A_52 : vector<256x1024xf32>
    %add3A_54 = vector.broadcast %get3A_36 : vector<1x1024xf32> to vector<256x1024xf32>
    %add3A_55 = vector.broadcast %get3A_15 : vector<256x1xf32> to vector<256x1024xf32>
    %add3A_56 = arith.addf %add3A_54, %add3A_55 : vector<256x1024xf32>
    %sub3A_57 = arith.subf %add3A_56, %mul3A_53 : vector<256x1024xf32>
    %add3A_58 = arith.constant 9.99999974E-6 : f32
    %add3A_59 = vector.broadcast %add3A_58 : f32 to vector<256x1024xf32>
    %add3A_60 = arith.addf %sub3A_57, %add3A_59 : vector<256x1024xf32>
    %div3A = arith.divf %mul3A_53, %add3A_60 : vector<256x1024xf32>
    %iota3A_61 = tpu.iota {dimensions = array<i32: 1>} : vector<1x1024xi32>
    %convert_element_type3A_62 = arith.sitofp %iota3A_61 : vector<1x1024xi32> to vector<1x1024xf32>
    %add3A_63 = arith.constant 0.000000e+00 : f32
    %add3A_64 = vector.broadcast %add3A_63 : f32 to vector<1x1024xf32>
    %add3A_65 = arith.addf %convert_element_type3A_62, %add3A_64 : vector<1x1024xf32>
    %reduce_max3A = arith.constant dense<0xFF800000> : vector<256xf32>
    %reduce_max3A_66 = vector.multi_reduction <maximumf>, %div3A, %reduce_max3A [1] : vector<256x1024xf32> to vector<256xf32>
    %broadcast_in_dim3A_67 = vector.shape_cast %reduce_max3A_66 : vector<256xf32> to vector<256x1xf32>
    %eq3A_68 = vector.broadcast %broadcast_in_dim3A_67 : vector<256x1xf32> to vector<256x1024xf32>
    %eq3A_69 = arith.cmpf oeq, %div3A, %eq3A_68 : vector<256x1024xf32>
    %jit3A_70 = arith.constant 1.07374182E+9 : f32
    %broadcast_in_dim3A_71 = vector.shape_cast %add3A_65 : vector<1x1024xf32> to vector<1x1024xf32>
    %broadcast_in_dim3A_72 = vector.broadcast %broadcast_in_dim3A_71 : vector<1x1024xf32> to vector<256x1024xf32>
    %broadcast_in_dim3A_73 = vector.broadcast %jit3A_70 : f32 to vector<256x1024xf32>
    %select_n3A = arith.select %eq3A_69, %broadcast_in_dim3A_72, %broadcast_in_dim3A_73 : vector<256x1024xi1>, vector<256x1024xf32>
    %reduce_min3A = arith.constant dense<0x7F800000> : vector<256xf32>
    %reduce_min3A_74 = vector.multi_reduction <minimumf>, %select_n3A, %reduce_min3A [1] : vector<256x1024xf32> to vector<256xf32>
    %broadcast_in_dim3A_75 = vector.shape_cast %reduce_min3A_74 : vector<256xf32> to vector<256x1xf32>
    %gt3A = arith.cmpf ogt, %broadcast_in_dim3A_67, %broadcast_in_dim3A_16 : vector<256x1xf32>
    %select_n3A_76 = arith.select %gt3A, %broadcast_in_dim3A_67, %broadcast_in_dim3A_16 : vector<256x1xi1>, vector<256x1xf32>
    %select_n3A_77 = arith.select %gt3A, %broadcast_in_dim3A_75, %broadcast_in_dim3A_18 : vector<256x1xi1>, vector<256x1xf32>
    %reduce_max3A_78 = arith.constant dense<0xFF800000> : vector<1024xf32>
    %reduce_max3A_79 = vector.multi_reduction <maximumf>, %div3A, %reduce_max3A_78 [0] : vector<256x1024xf32> to vector<1024xf32>
    %broadcast_in_dim3A_80 = vector.shape_cast %reduce_max3A_79 : vector<1024xf32> to vector<1x1024xf32>
    %eq3A_81 = vector.broadcast %broadcast_in_dim3A_80 : vector<1x1024xf32> to vector<256x1024xf32>
    %eq3A_82 = arith.cmpf oeq, %div3A, %eq3A_81 : vector<256x1024xf32>
    %jit3A_83 = arith.constant 1.07374182E+9 : f32
    %broadcast_in_dim3A_84 = vector.shape_cast %convert_element_type3A_21 : vector<256x1xf32> to vector<256x1xf32>
    %broadcast_in_dim3A_85 = vector.broadcast %broadcast_in_dim3A_84 : vector<256x1xf32> to vector<256x1024xf32>
    %broadcast_in_dim3A_86 = vector.broadcast %jit3A_83 : f32 to vector<256x1024xf32>
    %select_n3A_87 = arith.select %eq3A_82, %broadcast_in_dim3A_85, %broadcast_in_dim3A_86 : vector<256x1024xi1>, vector<256x1024xf32>
    %reduce_min3A_88 = arith.constant dense<0x7F800000> : vector<1024xf32>
    %reduce_min3A_89 = vector.multi_reduction <minimumf>, %select_n3A_87, %reduce_min3A_88 [0] : vector<256x1024xf32> to vector<1024xf32>
    %broadcast_in_dim3A_90 = vector.shape_cast %reduce_min3A_89 : vector<1024xf32> to vector<1x1024xf32>
    %get3A_91 = arith.constant 0 : index
    %get3A_92 = arith.constant 0 : index
    %get3A_93 = vector.load %arg15[%get3A_91, %get3A_92] : memref<1x5120xf32, #tpu.memory_space<vmem>>, vector<1x1024xf32>
    %get3A_94 = arith.constant 0 : index
    %get3A_95 = arith.constant 0 : index
    %get3A_96 = vector.load %arg16[%get3A_94, %get3A_95] : memref<1x5120xf32, #tpu.memory_space<vmem>>, vector<1x1024xf32>
    %gt3A_97 = arith.cmpf ogt, %broadcast_in_dim3A_80, %get3A_93 : vector<1x1024xf32>
    %select_n3A_98 = arith.select %gt3A_97, %broadcast_in_dim3A_80, %get3A_93 : vector<1x1024xi1>, vector<1x1024xf32>
    %swap3A = arith.constant 0 : index
    %swap3A_99 = arith.constant 0 : index
    %swap3A_100 = vector.load %arg15[%swap3A, %swap3A_99] : memref<1x5120xf32, #tpu.memory_space<vmem>>, vector<1x1024xf32>
    tpu.vector_store %arg15[%swap3A, %swap3A_99], %select_n3A_98 {strides = array<i32>} : memref<1x5120xf32, #tpu.memory_space<vmem>>, vector<1x1024xf32>,
    %select_n3A_101 = arith.select %gt3A_97, %broadcast_in_dim3A_90, %get3A_96 : vector<1x1024xi1>, vector<1x1024xf32>
    %swap3A_102 = arith.constant 0 : index
    %swap3A_103 = arith.constant 0 : index
    %swap3A_104 = vector.load %arg16[%swap3A_102, %swap3A_103] : memref<1x5120xf32, #tpu.memory_space<vmem>>, vector<1x1024xf32>
    tpu.vector_store %arg16[%swap3A_102, %swap3A_103], %select_n3A_101 {strides = array<i32>} : memref<1x5120xf32, #tpu.memory_space<vmem>>, vector<1x1024xf32>,
    %get3A_105 = arith.constant 0 : index
    %get3A_106 = arith.constant 1024 : index
    %get3A_107 = vector.load %arg6[%get3A_105, %get3A_106] : memref<1x5120xf32, #tpu.memory_space<vmem>>, vector<1x1024xf32>
    %get3A_108 = arith.constant 0 : index
    %get3A_109 = arith.constant 1024 : index
    %get3A_110 = vector.load %arg7[%get3A_108, %get3A_109] : memref<1x5120xf32, #tpu.memory_space<vmem>>, vector<1x1024xf32>
    %get3A_111 = arith.constant 0 : index
    %get3A_112 = arith.constant 1024 : index
    %get3A_113 = vector.load %arg8[%get3A_111, %get3A_112] : memref<1x5120xf32, #tpu.memory_space<vmem>>, vector<1x1024xf32>
    %get3A_114 = arith.constant 0 : index
    %get3A_115 = arith.constant 1024 : index
    %get3A_116 = vector.load %arg9[%get3A_114, %get3A_115] : memref<1x5120xf32, #tpu.memory_space<vmem>>, vector<1x1024xf32>
    %get3A_117 = arith.constant 0 : index
    %get3A_118 = arith.constant 1024 : index
    %get3A_119 = vector.load %arg10[%get3A_117, %get3A_118] : memref<1x5120xf32, #tpu.memory_space<vmem>>, vector<1x1024xf32>
    %max3A_120 = vector.broadcast %get3A_107 : vector<1x1024xf32> to vector<256x1024xf32>
    %max3A_121 = vector.broadcast %get3A_3 : vector<256x1xf32> to vector<256x1024xf32>
    %max3A_122 = arith.maximumf %max3A_120, %max3A_121 : vector<256x1024xf32>
    %max3A_123 = vector.broadcast %get3A_110 : vector<1x1024xf32> to vector<256x1024xf32>
    %max3A_124 = vector.broadcast %get3A_6 : vector<256x1xf32> to vector<256x1024xf32>
    %max3A_125 = arith.maximumf %max3A_123, %max3A_124 : vector<256x1024xf32>
    %min3A_126 = vector.broadcast %get3A_113 : vector<1x1024xf32> to vector<256x1024xf32>
    %min3A_127 = vector.broadcast %get3A_9 : vector<256x1xf32> to vector<256x1024xf32>
    %min3A_128 = arith.minimumf %min3A_126, %min3A_127 : vector<256x1024xf32>
    %min3A_129 = vector.broadcast %get3A_116 : vector<1x1024xf32> to vector<256x1024xf32>
    %min3A_130 = vector.broadcast %get3A_12 : vector<256x1xf32> to vector<256x1024xf32>
    %min3A_131 = arith.minimumf %min3A_129, %min3A_130 : vector<256x1024xf32>
    %sub3A_132 = arith.subf %min3A_128, %max3A_122 : vector<256x1024xf32>
    %jit3A_133 = arith.constant 0.000000e+00 : f32
    %max3A_134 = vector.broadcast %jit3A_133 : f32 to vector<256x1024xf32>
    %max3A_135 = arith.maximumf %max3A_134, %sub3A_132 : vector<256x1024xf32>
    %sub3A_136 = arith.subf %min3A_131, %max3A_125 : vector<256x1024xf32>
    %jit3A_137 = arith.constant 0.000000e+00 : f32
    %max3A_138 = vector.broadcast %jit3A_137 : f32 to vector<256x1024xf32>
    %max3A_139 = arith.maximumf %max3A_138, %sub3A_136 : vector<256x1024xf32>
    %mul3A_140 = arith.mulf %max3A_135, %max3A_139 : vector<256x1024xf32>
    %add3A_141 = vector.broadcast %get3A_119 : vector<1x1024xf32> to vector<256x1024xf32>
    %add3A_142 = vector.broadcast %get3A_15 : vector<256x1xf32> to vector<256x1024xf32>
    %add3A_143 = arith.addf %add3A_141, %add3A_142 : vector<256x1024xf32>
    %sub3A_144 = arith.subf %add3A_143, %mul3A_140 : vector<256x1024xf32>
    %add3A_145 = arith.constant 9.99999974E-6 : f32
    %add3A_146 = vector.broadcast %add3A_145 : f32 to vector<256x1024xf32>
    %add3A_147 = arith.addf %sub3A_144, %add3A_146 : vector<256x1024xf32>
    %div3A_148 = arith.divf %mul3A_140, %add3A_147 : vector<256x1024xf32>
    %iota3A_149 = tpu.iota {dimensions = array<i32: 1>} : vector<1x1024xi32>
    %convert_element_type3A_150 = arith.sitofp %iota3A_149 : vector<1x1024xi32> to vector<1x1024xf32>
    %add3A_151 = arith.constant 1.024000e+03 : f32
    %add3A_152 = vector.broadcast %add3A_151 : f32 to vector<1x1024xf32>
    %add3A_153 = arith.addf %convert_element_type3A_150, %add3A_152 : vector<1x1024xf32>
    %reduce_max3A_154 = arith.constant dense<0xFF800000> : vector<256xf32>
    %reduce_max3A_155 = vector.multi_reduction <maximumf>, %div3A_148, %reduce_max3A_154 [1] : vector<256x1024xf32> to vector<256xf32>
    %broadcast_in_dim3A_156 = vector.shape_cast %reduce_max3A_155 : vector<256xf32> to vector<256x1xf32>
    %eq3A_157 = vector.broadcast %broadcast_in_dim3A_156 : vector<256x1xf32> to vector<256x1024xf32>
    %eq3A_158 = arith.cmpf oeq, %div3A_148, %eq3A_157 : vector<256x1024xf32>
    %jit3A_159 = arith.constant 1.07374182E+9 : f32
    %broadcast_in_dim3A_160 = vector.shape_cast %add3A_153 : vector<1x1024xf32> to vector<1x1024xf32>
    %broadcast_in_dim3A_161 = vector.broadcast %broadcast_in_dim3A_160 : vector<1x1024xf32> to vector<256x1024xf32>
    %broadcast_in_dim3A_162 = vector.broadcast %jit3A_159 : f32 to vector<256x1024xf32>
    %select_n3A_163 = arith.select %eq3A_158, %broadcast_in_dim3A_161, %broadcast_in_dim3A_162 : vector<256x1024xi1>, vector<256x1024xf32>
    %reduce_min3A_164 = arith.constant dense<0x7F800000> : vector<256xf32>
    %reduce_min3A_165 = vector.multi_reduction <minimumf>, %select_n3A_163, %reduce_min3A_164 [1] : vector<256x1024xf32> to vector<256xf32>
    %broadcast_in_dim3A_166 = vector.shape_cast %reduce_min3A_165 : vector<256xf32> to vector<256x1xf32>
    %gt3A_167 = arith.cmpf ogt, %broadcast_in_dim3A_156, %select_n3A_76 : vector<256x1xf32>
    %select_n3A_168 = arith.select %gt3A_167, %broadcast_in_dim3A_156, %select_n3A_76 : vector<256x1xi1>, vector<256x1xf32>
    %select_n3A_169 = arith.select %gt3A_167, %broadcast_in_dim3A_166, %select_n3A_77 : vector<256x1xi1>, vector<256x1xf32>
    %reduce_max3A_170 = arith.constant dense<0xFF800000> : vector<1024xf32>
    %reduce_max3A_171 = vector.multi_reduction <maximumf>, %div3A_148, %reduce_max3A_170 [0] : vector<256x1024xf32> to vector<1024xf32>
    %broadcast_in_dim3A_172 = vector.shape_cast %reduce_max3A_171 : vector<1024xf32> to vector<1x1024xf32>
    %eq3A_173 = vector.broadcast %broadcast_in_dim3A_172 : vector<1x1024xf32> to vector<256x1024xf32>
    %eq3A_174 = arith.cmpf oeq, %div3A_148, %eq3A_173 : vector<256x1024xf32>
    %jit3A_175 = arith.constant 1.07374182E+9 : f32
    %broadcast_in_dim3A_176 = vector.shape_cast %convert_element_type3A_21 : vector<256x1xf32> to vector<256x1xf32>
    %broadcast_in_dim3A_177 = vector.broadcast %broadcast_in_dim3A_176 : vector<256x1xf32> to vector<256x1024xf32>
    %broadcast_in_dim3A_178 = vector.broadcast %jit3A_175 : f32 to vector<256x1024xf32>
    %select_n3A_179 = arith.select %eq3A_174, %broadcast_in_dim3A_177, %broadcast_in_dim3A_178 : vector<256x1024xi1>, vector<256x1024xf32>
    %reduce_min3A_180 = arith.constant dense<0x7F800000> : vector<1024xf32>
    %reduce_min3A_181 = vector.multi_reduction <minimumf>, %select_n3A_179, %reduce_min3A_180 [0] : vector<256x1024xf32> to vector<1024xf32>
    %broadcast_in_dim3A_182 = vector.shape_cast %reduce_min3A_181 : vector<1024xf32> to vector<1x1024xf32>
    %get3A_183 = arith.constant 0 : index
    %get3A_184 = arith.constant 1024 : index
    %get3A_185 = vector.load %arg15[%get3A_183, %get3A_184] : memref<1x5120xf32, #tpu.memory_space<vmem>>, vector<1x1024xf32>
    %get3A_186 = arith.constant 0 : index
    %get3A_187 = arith.constant 1024 : index
    %get3A_188 = vector.load %arg16[%get3A_186, %get3A_187] : memref<1x5120xf32, #tpu.memory_space<vmem>>, vector<1x1024xf32>
    %gt3A_189 = arith.cmpf ogt, %broadcast_in_dim3A_172, %get3A_185 : vector<1x1024xf32>
    %select_n3A_190 = arith.select %gt3A_189, %broadcast_in_dim3A_172, %get3A_185 : vector<1x1024xi1>, vector<1x1024xf32>
    %swap3A_191 = arith.constant 0 : index
    %swap3A_192 = arith.constant 1024 : index
    %swap3A_193 = vector.load %arg15[%swap3A_191, %swap3A_192] : memref<1x5120xf32, #tpu.memory_space<vmem>>, vector<1x1024xf32>
    tpu.vector_store %arg15[%swap3A_191, %swap3A_192], %select_n3A_190 {strides = array<i32>} : memref<1x5120xf32, #tpu.memory_space<vmem>>, vector<1x1024xf32>,
    %select_n3A_194 = arith.select %gt3A_189, %broadcast_in_dim3A_182, %get3A_188 : vector<1x1024xi1>, vector<1x1024xf32>
    %swap3A_195 = arith.constant 0 : index
    %swap3A_196 = arith.constant 1024 : index
    %swap3A_197 = vector.load %arg16[%swap3A_195, %swap3A_196] : memref<1x5120xf32, #tpu.memory_space<vmem>>, vector<1x1024xf32>
    tpu.vector_store %arg16[%swap3A_195, %swap3A_196], %select_n3A_194 {strides = array<i32>} : memref<1x5120xf32, #tpu.memory_space<vmem>>, vector<1x1024xf32>,
    %get3A_198 = arith.constant 0 : index
    %get3A_199 = arith.constant 2048 : index
    %get3A_200 = vector.load %arg6[%get3A_198, %get3A_199] : memref<1x5120xf32, #tpu.memory_space<vmem>>, vector<1x1024xf32>
    %get3A_201 = arith.constant 0 : index
    %get3A_202 = arith.constant 2048 : index
    %get3A_203 = vector.load %arg7[%get3A_201, %get3A_202] : memref<1x5120xf32, #tpu.memory_space<vmem>>, vector<1x1024xf32>
    %get3A_204 = arith.constant 0 : index
    %get3A_205 = arith.constant 2048 : index
    %get3A_206 = vector.load %arg8[%get3A_204, %get3A_205] : memref<1x5120xf32, #tpu.memory_space<vmem>>, vector<1x1024xf32>
    %get3A_207 = arith.constant 0 : index
    %get3A_208 = arith.constant 2048 : index
    %get3A_209 = vector.load %arg9[%get3A_207, %get3A_208] : memref<1x5120xf32, #tpu.memory_space<vmem>>, vector<1x1024xf32>
    %get3A_210 = arith.constant 0 : index
    %get3A_211 = arith.constant 2048 : index
    %get3A_212 = vector.load %arg10[%get3A_210, %get3A_211] : memref<1x5120xf32, #tpu.memory_space<vmem>>, vector<1x1024xf32>
    %max3A_213 = vector.broadcast %get3A_200 : vector<1x1024xf32> to vector<256x1024xf32>
    %max3A_214 = vector.broadcast %get3A_3 : vector<256x1xf32> to vector<256x1024xf32>
    %max3A_215 = arith.maximumf %max3A_213, %max3A_214 : vector<256x1024xf32>
    %max3A_216 = vector.broadcast %get3A_203 : vector<1x1024xf32> to vector<256x1024xf32>
    %max3A_217 = vector.broadcast %get3A_6 : vector<256x1xf32> to vector<256x1024xf32>
    %max3A_218 = arith.maximumf %max3A_216, %max3A_217 : vector<256x1024xf32>
    %min3A_219 = vector.broadcast %get3A_206 : vector<1x1024xf32> to vector<256x1024xf32>
    %min3A_220 = vector.broadcast %get3A_9 : vector<256x1xf32> to vector<256x1024xf32>
    %min3A_221 = arith.minimumf %min3A_219, %min3A_220 : vector<256x1024xf32>
    %min3A_222 = vector.broadcast %get3A_209 : vector<1x1024xf32> to vector<256x1024xf32>
    %min3A_223 = vector.broadcast %get3A_12 : vector<256x1xf32> to vector<256x1024xf32>
    %min3A_224 = arith.minimumf %min3A_222, %min3A_223 : vector<256x1024xf32>
    %sub3A_225 = arith.subf %min3A_221, %max3A_215 : vector<256x1024xf32>
    %jit3A_226 = arith.constant 0.000000e+00 : f32
    %max3A_227 = vector.broadcast %jit3A_226 : f32 to vector<256x1024xf32>
    %max3A_228 = arith.maximumf %max3A_227, %sub3A_225 : vector<256x1024xf32>
    %sub3A_229 = arith.subf %min3A_224, %max3A_218 : vector<256x1024xf32>
    %jit3A_230 = arith.constant 0.000000e+00 : f32
    %max3A_231 = vector.broadcast %jit3A_230 : f32 to vector<256x1024xf32>
    %max3A_232 = arith.maximumf %max3A_231, %sub3A_229 : vector<256x1024xf32>
    %mul3A_233 = arith.mulf %max3A_228, %max3A_232 : vector<256x1024xf32>
    %add3A_234 = vector.broadcast %get3A_212 : vector<1x1024xf32> to vector<256x1024xf32>
    %add3A_235 = vector.broadcast %get3A_15 : vector<256x1xf32> to vector<256x1024xf32>
    %add3A_236 = arith.addf %add3A_234, %add3A_235 : vector<256x1024xf32>
    %sub3A_237 = arith.subf %add3A_236, %mul3A_233 : vector<256x1024xf32>
    %add3A_238 = arith.constant 9.99999974E-6 : f32
    %add3A_239 = vector.broadcast %add3A_238 : f32 to vector<256x1024xf32>
    %add3A_240 = arith.addf %sub3A_237, %add3A_239 : vector<256x1024xf32>
    %div3A_241 = arith.divf %mul3A_233, %add3A_240 : vector<256x1024xf32>
    %iota3A_242 = tpu.iota {dimensions = array<i32: 1>} : vector<1x1024xi32>
    %convert_element_type3A_243 = arith.sitofp %iota3A_242 : vector<1x1024xi32> to vector<1x1024xf32>
    %add3A_244 = arith.constant 2.048000e+03 : f32
    %add3A_245 = vector.broadcast %add3A_244 : f32 to vector<1x1024xf32>
    %add3A_246 = arith.addf %convert_element_type3A_243, %add3A_245 : vector<1x1024xf32>
    %reduce_max3A_247 = arith.constant dense<0xFF800000> : vector<256xf32>
    %reduce_max3A_248 = vector.multi_reduction <maximumf>, %div3A_241, %reduce_max3A_247 [1] : vector<256x1024xf32> to vector<256xf32>
    %broadcast_in_dim3A_249 = vector.shape_cast %reduce_max3A_248 : vector<256xf32> to vector<256x1xf32>
    %eq3A_250 = vector.broadcast %broadcast_in_dim3A_249 : vector<256x1xf32> to vector<256x1024xf32>
    %eq3A_251 = arith.cmpf oeq, %div3A_241, %eq3A_250 : vector<256x1024xf32>
    %jit3A_252 = arith.constant 1.07374182E+9 : f32
    %broadcast_in_dim3A_253 = vector.shape_cast %add3A_246 : vector<1x1024xf32> to vector<1x1024xf32>
    %broadcast_in_dim3A_254 = vector.broadcast %broadcast_in_dim3A_253 : vector<1x1024xf32> to vector<256x1024xf32>
    %broadcast_in_dim3A_255 = vector.broadcast %jit3A_252 : f32 to vector<256x1024xf32>
    %select_n3A_256 = arith.select %eq3A_251, %broadcast_in_dim3A_254, %broadcast_in_dim3A_255 : vector<256x1024xi1>, vector<256x1024xf32>
    %reduce_min3A_257 = arith.constant dense<0x7F800000> : vector<256xf32>
    %reduce_min3A_258 = vector.multi_reduction <minimumf>, %select_n3A_256, %reduce_min3A_257 [1] : vector<256x1024xf32> to vector<256xf32>
    %broadcast_in_dim3A_259 = vector.shape_cast %reduce_min3A_258 : vector<256xf32> to vector<256x1xf32>
    %gt3A_260 = arith.cmpf ogt, %broadcast_in_dim3A_249, %select_n3A_168 : vector<256x1xf32>
    %select_n3A_261 = arith.select %gt3A_260, %broadcast_in_dim3A_249, %select_n3A_168 : vector<256x1xi1>, vector<256x1xf32>
    %select_n3A_262 = arith.select %gt3A_260, %broadcast_in_dim3A_259, %select_n3A_169 : vector<256x1xi1>, vector<256x1xf32>
    %reduce_max3A_263 = arith.constant dense<0xFF800000> : vector<1024xf32>
    %reduce_max3A_264 = vector.multi_reduction <maximumf>, %div3A_241, %reduce_max3A_263 [0] : vector<256x1024xf32> to vector<1024xf32>
    %broadcast_in_dim3A_265 = vector.shape_cast %reduce_max3A_264 : vector<1024xf32> to vector<1x1024xf32>
    %eq3A_266 = vector.broadcast %broadcast_in_dim3A_265 : vector<1x1024xf32> to vector<256x1024xf32>
    %eq3A_267 = arith.cmpf oeq, %div3A_241, %eq3A_266 : vector<256x1024xf32>
    %jit3A_268 = arith.constant 1.07374182E+9 : f32
    %broadcast_in_dim3A_269 = vector.shape_cast %convert_element_type3A_21 : vector<256x1xf32> to vector<256x1xf32>
    %broadcast_in_dim3A_270 = vector.broadcast %broadcast_in_dim3A_269 : vector<256x1xf32> to vector<256x1024xf32>
    %broadcast_in_dim3A_271 = vector.broadcast %jit3A_268 : f32 to vector<256x1024xf32>
    %select_n3A_272 = arith.select %eq3A_267, %broadcast_in_dim3A_270, %broadcast_in_dim3A_271 : vector<256x1024xi1>, vector<256x1024xf32>
    %reduce_min3A_273 = arith.constant dense<0x7F800000> : vector<1024xf32>
    %reduce_min3A_274 = vector.multi_reduction <minimumf>, %select_n3A_272, %reduce_min3A_273 [0] : vector<256x1024xf32> to vector<1024xf32>
    %broadcast_in_dim3A_275 = vector.shape_cast %reduce_min3A_274 : vector<1024xf32> to vector<1x1024xf32>
    %get3A_276 = arith.constant 0 : index
    %get3A_277 = arith.constant 2048 : index
    %get3A_278 = vector.load %arg15[%get3A_276, %get3A_277] : memref<1x5120xf32, #tpu.memory_space<vmem>>, vector<1x1024xf32>
    %get3A_279 = arith.constant 0 : index
    %get3A_280 = arith.constant 2048 : index
    %get3A_281 = vector.load %arg16[%get3A_279, %get3A_280] : memref<1x5120xf32, #tpu.memory_space<vmem>>, vector<1x1024xf32>
    %gt3A_282 = arith.cmpf ogt, %broadcast_in_dim3A_265, %get3A_278 : vector<1x1024xf32>
    %select_n3A_283 = arith.select %gt3A_282, %broadcast_in_dim3A_265, %get3A_278 : vector<1x1024xi1>, vector<1x1024xf32>
    %swap3A_284 = arith.constant 0 : index
    %swap3A_285 = arith.constant 2048 : index
    %swap3A_286 = vector.load %arg15[%swap3A_284, %swap3A_285] : memref<1x5120xf32, #tpu.memory_space<vmem>>, vector<1x1024xf32>
    tpu.vector_store %arg15[%swap3A_284, %swap3A_285], %select_n3A_283 {strides = array<i32>} : memref<1x5120xf32, #tpu.memory_space<vmem>>, vector<1x1024xf32>,
    %select_n3A_287 = arith.select %gt3A_282, %broadcast_in_dim3A_275, %get3A_281 : vector<1x1024xi1>, vector<1x1024xf32>
    %swap3A_288 = arith.constant 0 : index
    %swap3A_289 = arith.constant 2048 : index
    %swap3A_290 = vector.load %arg16[%swap3A_288, %swap3A_289] : memref<1x5120xf32, #tpu.memory_space<vmem>>, vector<1x1024xf32>
    tpu.vector_store %arg16[%swap3A_288, %swap3A_289], %select_n3A_287 {strides = array<i32>} : memref<1x5120xf32, #tpu.memory_space<vmem>>, vector<1x1024xf32>,
    %get3A_291 = arith.constant 0 : index
    %get3A_292 = arith.constant 3072 : index
    %get3A_293 = vector.load %arg6[%get3A_291, %get3A_292] : memref<1x5120xf32, #tpu.memory_space<vmem>>, vector<1x1024xf32>
    %get3A_294 = arith.constant 0 : index
    %get3A_295 = arith.constant 3072 : index
    %get3A_296 = vector.load %arg7[%get3A_294, %get3A_295] : memref<1x5120xf32, #tpu.memory_space<vmem>>, vector<1x1024xf32>
    %get3A_297 = arith.constant 0 : index
    %get3A_298 = arith.constant 3072 : index
    %get3A_299 = vector.load %arg8[%get3A_297, %get3A_298] : memref<1x5120xf32, #tpu.memory_space<vmem>>, vector<1x1024xf32>
    %get3A_300 = arith.constant 0 : index
    %get3A_301 = arith.constant 3072 : index
    %get3A_302 = vector.load %arg9[%get3A_300, %get3A_301] : memref<1x5120xf32, #tpu.memory_space<vmem>>, vector<1x1024xf32>
    %get3A_303 = arith.constant 0 : index
    %get3A_304 = arith.constant 3072 : index
    %get3A_305 = vector.load %arg10[%get3A_303, %get3A_304] : memref<1x5120xf32, #tpu.memory_space<vmem>>, vector<1x1024xf32>
    %max3A_306 = vector.broadcast %get3A_293 : vector<1x1024xf32> to vector<256x1024xf32>
    %max3A_307 = vector.broadcast %get3A_3 : vector<256x1xf32> to vector<256x1024xf32>
    %max3A_308 = arith.maximumf %max3A_306, %max3A_307 : vector<256x1024xf32>
    %max3A_309 = vector.broadcast %get3A_296 : vector<1x1024xf32> to vector<256x1024xf32>
    %max3A_310 = vector.broadcast %get3A_6 : vector<256x1xf32> to vector<256x1024xf32>
    %max3A_311 = arith.maximumf %max3A_309, %max3A_310 : vector<256x1024xf32>
    %min3A_312 = vector.broadcast %get3A_299 : vector<1x1024xf32> to vector<256x1024xf32>
    %min3A_313 = vector.broadcast %get3A_9 : vector<256x1xf32> to vector<256x1024xf32>
    %min3A_314 = arith.minimumf %min3A_312, %min3A_313 : vector<256x1024xf32>
    %min3A_315 = vector.broadcast %get3A_302 : vector<1x1024xf32> to vector<256x1024xf32>
    %min3A_316 = vector.broadcast %get3A_12 : vector<256x1xf32> to vector<256x1024xf32>
    %min3A_317 = arith.minimumf %min3A_315, %min3A_316 : vector<256x1024xf32>
    %sub3A_318 = arith.subf %min3A_314, %max3A_308 : vector<256x1024xf32>
    %jit3A_319 = arith.constant 0.000000e+00 : f32
    %max3A_320 = vector.broadcast %jit3A_319 : f32 to vector<256x1024xf32>
    %max3A_321 = arith.maximumf %max3A_320, %sub3A_318 : vector<256x1024xf32>
    %sub3A_322 = arith.subf %min3A_317, %max3A_311 : vector<256x1024xf32>
    %jit3A_323 = arith.constant 0.000000e+00 : f32
    %max3A_324 = vector.broadcast %jit3A_323 : f32 to vector<256x1024xf32>
    %max3A_325 = arith.maximumf %max3A_324, %sub3A_322 : vector<256x1024xf32>
    %mul3A_326 = arith.mulf %max3A_321, %max3A_325 : vector<256x1024xf32>
    %add3A_327 = vector.broadcast %get3A_305 : vector<1x1024xf32> to vector<256x1024xf32>
    %add3A_328 = vector.broadcast %get3A_15 : vector<256x1xf32> to vector<256x1024xf32>
    %add3A_329 = arith.addf %add3A_327, %add3A_328 : vector<256x1024xf32>
    %sub3A_330 = arith.subf %add3A_329, %mul3A_326 : vector<256x1024xf32>
    %add3A_331 = arith.constant 9.99999974E-6 : f32
    %add3A_332 = vector.broadcast %add3A_331 : f32 to vector<256x1024xf32>
    %add3A_333 = arith.addf %sub3A_330, %add3A_332 : vector<256x1024xf32>
    %div3A_334 = arith.divf %mul3A_326, %add3A_333 : vector<256x1024xf32>
    %iota3A_335 = tpu.iota {dimensions = array<i32: 1>} : vector<1x1024xi32>
    %convert_element_type3A_336 = arith.sitofp %iota3A_335 : vector<1x1024xi32> to vector<1x1024xf32>
    %add3A_337 = arith.constant 3.072000e+03 : f32
    %add3A_338 = vector.broadcast %add3A_337 : f32 to vector<1x1024xf32>
    %add3A_339 = arith.addf %convert_element_type3A_336, %add3A_338 : vector<1x1024xf32>
    %reduce_max3A_340 = arith.constant dense<0xFF800000> : vector<256xf32>
    %reduce_max3A_341 = vector.multi_reduction <maximumf>, %div3A_334, %reduce_max3A_340 [1] : vector<256x1024xf32> to vector<256xf32>
    %broadcast_in_dim3A_342 = vector.shape_cast %reduce_max3A_341 : vector<256xf32> to vector<256x1xf32>
    %eq3A_343 = vector.broadcast %broadcast_in_dim3A_342 : vector<256x1xf32> to vector<256x1024xf32>
    %eq3A_344 = arith.cmpf oeq, %div3A_334, %eq3A_343 : vector<256x1024xf32>
    %jit3A_345 = arith.constant 1.07374182E+9 : f32
    %broadcast_in_dim3A_346 = vector.shape_cast %add3A_339 : vector<1x1024xf32> to vector<1x1024xf32>
    %broadcast_in_dim3A_347 = vector.broadcast %broadcast_in_dim3A_346 : vector<1x1024xf32> to vector<256x1024xf32>
    %broadcast_in_dim3A_348 = vector.broadcast %jit3A_345 : f32 to vector<256x1024xf32>
    %select_n3A_349 = arith.select %eq3A_344, %broadcast_in_dim3A_347, %broadcast_in_dim3A_348 : vector<256x1024xi1>, vector<256x1024xf32>
    %reduce_min3A_350 = arith.constant dense<0x7F800000> : vector<256xf32>
    %reduce_min3A_351 = vector.multi_reduction <minimumf>, %select_n3A_349, %reduce_min3A_350 [1] : vector<256x1024xf32> to vector<256xf32>
    %broadcast_in_dim3A_352 = vector.shape_cast %reduce_min3A_351 : vector<256xf32> to vector<256x1xf32>
    %gt3A_353 = arith.cmpf ogt, %broadcast_in_dim3A_342, %select_n3A_261 : vector<256x1xf32>
    %select_n3A_354 = arith.select %gt3A_353, %broadcast_in_dim3A_342, %select_n3A_261 : vector<256x1xi1>, vector<256x1xf32>
    %select_n3A_355 = arith.select %gt3A_353, %broadcast_in_dim3A_352, %select_n3A_262 : vector<256x1xi1>, vector<256x1xf32>
    %reduce_max3A_356 = arith.constant dense<0xFF800000> : vector<1024xf32>
    %reduce_max3A_357 = vector.multi_reduction <maximumf>, %div3A_334, %reduce_max3A_356 [0] : vector<256x1024xf32> to vector<1024xf32>
    %broadcast_in_dim3A_358 = vector.shape_cast %reduce_max3A_357 : vector<1024xf32> to vector<1x1024xf32>
    %eq3A_359 = vector.broadcast %broadcast_in_dim3A_358 : vector<1x1024xf32> to vector<256x1024xf32>
    %eq3A_360 = arith.cmpf oeq, %div3A_334, %eq3A_359 : vector<256x1024xf32>
    %jit3A_361 = arith.constant 1.07374182E+9 : f32
    %broadcast_in_dim3A_362 = vector.shape_cast %convert_element_type3A_21 : vector<256x1xf32> to vector<256x1xf32>
    %broadcast_in_dim3A_363 = vector.broadcast %broadcast_in_dim3A_362 : vector<256x1xf32> to vector<256x1024xf32>
    %broadcast_in_dim3A_364 = vector.broadcast %jit3A_361 : f32 to vector<256x1024xf32>
    %select_n3A_365 = arith.select %eq3A_360, %broadcast_in_dim3A_363, %broadcast_in_dim3A_364 : vector<256x1024xi1>, vector<256x1024xf32>
    %reduce_min3A_366 = arith.constant dense<0x7F800000> : vector<1024xf32>
    %reduce_min3A_367 = vector.multi_reduction <minimumf>, %select_n3A_365, %reduce_min3A_366 [0] : vector<256x1024xf32> to vector<1024xf32>
    %broadcast_in_dim3A_368 = vector.shape_cast %reduce_min3A_367 : vector<1024xf32> to vector<1x1024xf32>
    %get3A_369 = arith.constant 0 : index
    %get3A_370 = arith.constant 3072 : index
    %get3A_371 = vector.load %arg15[%get3A_369, %get3A_370] : memref<1x5120xf32, #tpu.memory_space<vmem>>, vector<1x1024xf32>
    %get3A_372 = arith.constant 0 : index
    %get3A_373 = arith.constant 3072 : index
    %get3A_374 = vector.load %arg16[%get3A_372, %get3A_373] : memref<1x5120xf32, #tpu.memory_space<vmem>>, vector<1x1024xf32>
    %gt3A_375 = arith.cmpf ogt, %broadcast_in_dim3A_358, %get3A_371 : vector<1x1024xf32>
    %select_n3A_376 = arith.select %gt3A_375, %broadcast_in_dim3A_358, %get3A_371 : vector<1x1024xi1>, vector<1x1024xf32>
    %swap3A_377 = arith.constant 0 : index
    %swap3A_378 = arith.constant 3072 : index
    %swap3A_379 = vector.load %arg15[%swap3A_377, %swap3A_378] : memref<1x5120xf32, #tpu.memory_space<vmem>>, vector<1x1024xf32>
    tpu.vector_store %arg15[%swap3A_377, %swap3A_378], %select_n3A_376 {strides = array<i32>} : memref<1x5120xf32, #tpu.memory_space<vmem>>, vector<1x1024xf32>,
    %select_n3A_380 = arith.select %gt3A_375, %broadcast_in_dim3A_368, %get3A_374 : vector<1x1024xi1>, vector<1x1024xf32>
    %swap3A_381 = arith.constant 0 : index
    %swap3A_382 = arith.constant 3072 : index
    %swap3A_383 = vector.load %arg16[%swap3A_381, %swap3A_382] : memref<1x5120xf32, #tpu.memory_space<vmem>>, vector<1x1024xf32>
    tpu.vector_store %arg16[%swap3A_381, %swap3A_382], %select_n3A_380 {strides = array<i32>} : memref<1x5120xf32, #tpu.memory_space<vmem>>, vector<1x1024xf32>,
    %get3A_384 = arith.constant 0 : index
    %get3A_385 = arith.constant 4096 : index
    %get3A_386 = vector.load %arg6[%get3A_384, %get3A_385] : memref<1x5120xf32, #tpu.memory_space<vmem>>, vector<1x1024xf32>
    %get3A_387 = arith.constant 0 : index
    %get3A_388 = arith.constant 4096 : index
    %get3A_389 = vector.load %arg7[%get3A_387, %get3A_388] : memref<1x5120xf32, #tpu.memory_space<vmem>>, vector<1x1024xf32>
    %get3A_390 = arith.constant 0 : index
    %get3A_391 = arith.constant 4096 : index
    %get3A_392 = vector.load %arg8[%get3A_390, %get3A_391] : memref<1x5120xf32, #tpu.memory_space<vmem>>, vector<1x1024xf32>
    %get3A_393 = arith.constant 0 : index
    %get3A_394 = arith.constant 4096 : index
    %get3A_395 = vector.load %arg9[%get3A_393, %get3A_394] : memref<1x5120xf32, #tpu.memory_space<vmem>>, vector<1x1024xf32>
    %get3A_396 = arith.constant 0 : index
    %get3A_397 = arith.constant 4096 : index
    %get3A_398 = vector.load %arg10[%get3A_396, %get3A_397] : memref<1x5120xf32, #tpu.memory_space<vmem>>, vector<1x1024xf32>
    %max3A_399 = vector.broadcast %get3A_386 : vector<1x1024xf32> to vector<256x1024xf32>
    %max3A_400 = vector.broadcast %get3A_3 : vector<256x1xf32> to vector<256x1024xf32>
    %max3A_401 = arith.maximumf %max3A_399, %max3A_400 : vector<256x1024xf32>
    %max3A_402 = vector.broadcast %get3A_389 : vector<1x1024xf32> to vector<256x1024xf32>
    %max3A_403 = vector.broadcast %get3A_6 : vector<256x1xf32> to vector<256x1024xf32>
    %max3A_404 = arith.maximumf %max3A_402, %max3A_403 : vector<256x1024xf32>
    %min3A_405 = vector.broadcast %get3A_392 : vector<1x1024xf32> to vector<256x1024xf32>
    %min3A_406 = vector.broadcast %get3A_9 : vector<256x1xf32> to vector<256x1024xf32>
    %min3A_407 = arith.minimumf %min3A_405, %min3A_406 : vector<256x1024xf32>
    %min3A_408 = vector.broadcast %get3A_395 : vector<1x1024xf32> to vector<256x1024xf32>
    %min3A_409 = vector.broadcast %get3A_12 : vector<256x1xf32> to vector<256x1024xf32>
    %min3A_410 = arith.minimumf %min3A_408, %min3A_409 : vector<256x1024xf32>
    %sub3A_411 = arith.subf %min3A_407, %max3A_401 : vector<256x1024xf32>
    %jit3A_412 = arith.constant 0.000000e+00 : f32
    %max3A_413 = vector.broadcast %jit3A_412 : f32 to vector<256x1024xf32>
    %max3A_414 = arith.maximumf %max3A_413, %sub3A_411 : vector<256x1024xf32>
    %sub3A_415 = arith.subf %min3A_410, %max3A_404 : vector<256x1024xf32>
    %jit3A_416 = arith.constant 0.000000e+00 : f32
    %max3A_417 = vector.broadcast %jit3A_416 : f32 to vector<256x1024xf32>
    %max3A_418 = arith.maximumf %max3A_417, %sub3A_415 : vector<256x1024xf32>
    %mul3A_419 = arith.mulf %max3A_414, %max3A_418 : vector<256x1024xf32>
    %add3A_420 = vector.broadcast %get3A_398 : vector<1x1024xf32> to vector<256x1024xf32>
    %add3A_421 = vector.broadcast %get3A_15 : vector<256x1xf32> to vector<256x1024xf32>
    %add3A_422 = arith.addf %add3A_420, %add3A_421 : vector<256x1024xf32>
    %sub3A_423 = arith.subf %add3A_422, %mul3A_419 : vector<256x1024xf32>
    %add3A_424 = arith.constant 9.99999974E-6 : f32
    %add3A_425 = vector.broadcast %add3A_424 : f32 to vector<256x1024xf32>
    %add3A_426 = arith.addf %sub3A_423, %add3A_425 : vector<256x1024xf32>
    %div3A_427 = arith.divf %mul3A_419, %add3A_426 : vector<256x1024xf32>
    %iota3A_428 = tpu.iota {dimensions = array<i32: 1>} : vector<1x1024xi32>
    %convert_element_type3A_429 = arith.sitofp %iota3A_428 : vector<1x1024xi32> to vector<1x1024xf32>
    %add3A_430 = arith.constant 4.096000e+03 : f32
    %add3A_431 = vector.broadcast %add3A_430 : f32 to vector<1x1024xf32>
    %add3A_432 = arith.addf %convert_element_type3A_429, %add3A_431 : vector<1x1024xf32>
    %reduce_max3A_433 = arith.constant dense<0xFF800000> : vector<256xf32>
    %reduce_max3A_434 = vector.multi_reduction <maximumf>, %div3A_427, %reduce_max3A_433 [1] : vector<256x1024xf32> to vector<256xf32>
    %broadcast_in_dim3A_435 = vector.shape_cast %reduce_max3A_434 : vector<256xf32> to vector<256x1xf32>
    %eq3A_436 = vector.broadcast %broadcast_in_dim3A_435 : vector<256x1xf32> to vector<256x1024xf32>
    %eq3A_437 = arith.cmpf oeq, %div3A_427, %eq3A_436 : vector<256x1024xf32>
    %jit3A_438 = arith.constant 1.07374182E+9 : f32
    %broadcast_in_dim3A_439 = vector.shape_cast %add3A_432 : vector<1x1024xf32> to vector<1x1024xf32>
    %broadcast_in_dim3A_440 = vector.broadcast %broadcast_in_dim3A_439 : vector<1x1024xf32> to vector<256x1024xf32>
    %broadcast_in_dim3A_441 = vector.broadcast %jit3A_438 : f32 to vector<256x1024xf32>
    %select_n3A_442 = arith.select %eq3A_437, %broadcast_in_dim3A_440, %broadcast_in_dim3A_441 : vector<256x1024xi1>, vector<256x1024xf32>
    %reduce_min3A_443 = arith.constant dense<0x7F800000> : vector<256xf32>
    %reduce_min3A_444 = vector.multi_reduction <minimumf>, %select_n3A_442, %reduce_min3A_443 [1] : vector<256x1024xf32> to vector<256xf32>
    %broadcast_in_dim3A_445 = vector.shape_cast %reduce_min3A_444 : vector<256xf32> to vector<256x1xf32>
    %gt3A_446 = arith.cmpf ogt, %broadcast_in_dim3A_435, %select_n3A_354 : vector<256x1xf32>
    %select_n3A_447 = arith.select %gt3A_446, %broadcast_in_dim3A_435, %select_n3A_354 : vector<256x1xi1>, vector<256x1xf32>
    %select_n3A_448 = arith.select %gt3A_446, %broadcast_in_dim3A_445, %select_n3A_355 : vector<256x1xi1>, vector<256x1xf32>
    %reduce_max3A_449 = arith.constant dense<0xFF800000> : vector<1024xf32>
    %reduce_max3A_450 = vector.multi_reduction <maximumf>, %div3A_427, %reduce_max3A_449 [0] : vector<256x1024xf32> to vector<1024xf32>
    %broadcast_in_dim3A_451 = vector.shape_cast %reduce_max3A_450 : vector<1024xf32> to vector<1x1024xf32>
    %eq3A_452 = vector.broadcast %broadcast_in_dim3A_451 : vector<1x1024xf32> to vector<256x1024xf32>
    %eq3A_453 = arith.cmpf oeq, %div3A_427, %eq3A_452 : vector<256x1024xf32>
    %jit3A_454 = arith.constant 1.07374182E+9 : f32
    %broadcast_in_dim3A_455 = vector.shape_cast %convert_element_type3A_21 : vector<256x1xf32> to vector<256x1xf32>
    %broadcast_in_dim3A_456 = vector.broadcast %broadcast_in_dim3A_455 : vector<256x1xf32> to vector<256x1024xf32>
    %broadcast_in_dim3A_457 = vector.broadcast %jit3A_454 : f32 to vector<256x1024xf32>
    %select_n3A_458 = arith.select %eq3A_453, %broadcast_in_dim3A_456, %broadcast_in_dim3A_457 : vector<256x1024xi1>, vector<256x1024xf32>
    %reduce_min3A_459 = arith.constant dense<0x7F800000> : vector<1024xf32>
    %reduce_min3A_460 = vector.multi_reduction <minimumf>, %select_n3A_458, %reduce_min3A_459 [0] : vector<256x1024xf32> to vector<1024xf32>
    %broadcast_in_dim3A_461 = vector.shape_cast %reduce_min3A_460 : vector<1024xf32> to vector<1x1024xf32>
    %get3A_462 = arith.constant 0 : index
    %get3A_463 = arith.constant 4096 : index
    %get3A_464 = vector.load %arg15[%get3A_462, %get3A_463] : memref<1x5120xf32, #tpu.memory_space<vmem>>, vector<1x1024xf32>
    %get3A_465 = arith.constant 0 : index
    %get3A_466 = arith.constant 4096 : index
    %get3A_467 = vector.load %arg16[%get3A_465, %get3A_466] : memref<1x5120xf32, #tpu.memory_space<vmem>>, vector<1x1024xf32>
    %gt3A_468 = arith.cmpf ogt, %broadcast_in_dim3A_451, %get3A_464 : vector<1x1024xf32>
    %select_n3A_469 = arith.select %gt3A_468, %broadcast_in_dim3A_451, %get3A_464 : vector<1x1024xi1>, vector<1x1024xf32>
    %swap3A_470 = arith.constant 0 : index
    %swap3A_471 = arith.constant 4096 : index
    %swap3A_472 = vector.load %arg15[%swap3A_470, %swap3A_471] : memref<1x5120xf32, #tpu.memory_space<vmem>>, vector<1x1024xf32>
    tpu.vector_store %arg15[%swap3A_470, %swap3A_471], %select_n3A_469 {strides = array<i32>} : memref<1x5120xf32, #tpu.memory_space<vmem>>, vector<1x1024xf32>,
    %select_n3A_473 = arith.select %gt3A_468, %broadcast_in_dim3A_461, %get3A_467 : vector<1x1024xi1>, vector<1x1024xf32>
    %swap3A_474 = arith.constant 0 : index
    %swap3A_475 = arith.constant 4096 : index
    %swap3A_476 = vector.load %arg16[%swap3A_474, %swap3A_475] : memref<1x5120xf32, #tpu.memory_space<vmem>>, vector<1x1024xf32>
    tpu.vector_store %arg16[%swap3A_474, %swap3A_475], %select_n3A_473 {strides = array<i32>} : memref<1x5120xf32, #tpu.memory_space<vmem>>, vector<1x1024xf32>,
    %swap3A_477 = arith.constant 0 : index
    %swap3A_478 = arith.constant 0 : index
    %swap3A_479 = vector.load %arg11[%swap3A_477, %swap3A_478] : memref<256x1xf32, #tpu.memory_space<vmem>>, vector<256x1xf32>
    tpu.vector_store %arg11[%swap3A_477, %swap3A_478], %select_n3A_447 {strides = array<i32>} : memref<256x1xf32, #tpu.memory_space<vmem>>, vector<256x1xf32>,
    %swap3A_480 = arith.constant 0 : index
    %swap3A_481 = arith.constant 0 : index
    %swap3A_482 = vector.load %arg12[%swap3A_480, %swap3A_481] : memref<256x1xf32, #tpu.memory_space<vmem>>, vector<256x1xf32>
    tpu.vector_store %arg12[%swap3A_480, %swap3A_481], %select_n3A_448 {strides = array<i32>} : memref<256x1xf32, #tpu.memory_space<vmem>>, vector<256x1xf32>,
    %eq3A_483 = arith.constant 34 : i32
    %eq3A_484 = arith.cmpi eq, %arg0, %eq3A_483 : i32
    %convert_element_type3A_485 = arith.extui %eq3A_484 : i1 to i32
    %cond3A_486 = arith.constant 0 : i32
    %cond3A_487 = arith.cmpi ne, %convert_element_type3A_485, %cond3A_486 : i32
    scf.if %cond3A_487 {
      %get3A_488 = arith.constant 0 : index
      %get3A_489 = arith.constant 0 : index
      %get3A_490 = vector.load %arg15[%get3A_488, %get3A_489] : memref<1x5120xf32, #tpu.memory_space<vmem>>, vector<1x5120xf32>
      %swap3A_491 = arith.constant 0 : index
      %swap3A_492 = arith.constant 0 : index
      %swap3A_493 = vector.load %arg13[%swap3A_491, %swap3A_492] : memref<1x5120xf32, #tpu.memory_space<vmem>>, vector<1x5120xf32>
      tpu.vector_store %arg13[%swap3A_491, %swap3A_492], %get3A_490 {strides = array<i32>} : memref<1x5120xf32, #tpu.memory_space<vmem>>, vector<1x5120xf32>,
      %get3A_494 = arith.constant 0 : index
      %get3A_495 = arith.constant 0 : index
      %get3A_496 = vector.load %arg16[%get3A_494, %get3A_495] : memref<1x5120xf32, #tpu.memory_space<vmem>>, vector<1x5120xf32>
      %swap3A_497 = arith.constant 0 : index
      %swap3A_498 = arith.constant 0 : index
      %swap3A_499 = vector.load %arg14[%swap3A_497, %swap3A_498] : memref<1x5120xf32, #tpu.memory_space<vmem>>, vector<1x5120xf32>
      tpu.vector_store %arg14[%swap3A_497, %swap3A_498], %get3A_496 {strides = array<i32>} : memref<1x5120xf32, #tpu.memory_space<vmem>>, vector<1x5120xf32>,
    } else {
    }
    return
  }
  func.func @transform_0(%arg0: i32) -> (i32, i32) {
    %c0_i32 = arith.constant 0 : i32
    %c0_i32_0 = arith.constant 0 : i32
    return %arg0, %c0_i32 : i32, i32
  }
  func.func @transform_1(%arg0: i32) -> (i32, i32) {
    %c0_i32 = arith.constant 0 : i32
    %c0_i32_0 = arith.constant 0 : i32
    return %arg0, %c0_i32 : i32, i32
  }
  func.func @transform_2(%arg0: i32) -> (i32, i32) {
    %c0_i32 = arith.constant 0 : i32
    %c0_i32_0 = arith.constant 0 : i32
    return %arg0, %c0_i32 : i32, i32
  }
  func.func @transform_3(%arg0: i32) -> (i32, i32) {
    %c0_i32 = arith.constant 0 : i32
    %c0_i32_0 = arith.constant 0 : i32
    return %arg0, %c0_i32 : i32, i32
  }
  func.func @transform_4(%arg0: i32) -> (i32, i32) {
    %c0_i32 = arith.constant 0 : i32
    %c0_i32_0 = arith.constant 0 : i32
    return %arg0, %c0_i32 : i32, i32
  }
  func.func @transform_5(%arg0: i32) -> (i32, i32) {
    %c0_i32 = arith.constant 0 : i32
    %c0_i32_0 = arith.constant 0 : i32
    %c0_i32_1 = arith.constant 0 : i32
    return %c0_i32, %c0_i32_0 : i32, i32
  }
  func.func @transform_6(%arg0: i32) -> (i32, i32) {
    %c0_i32 = arith.constant 0 : i32
    %c0_i32_0 = arith.constant 0 : i32
    %c0_i32_1 = arith.constant 0 : i32
    return %c0_i32, %c0_i32_0 : i32, i32
  }
  func.func @transform_7(%arg0: i32) -> (i32, i32) {
    %c0_i32 = arith.constant 0 : i32
    %c0_i32_0 = arith.constant 0 : i32
    %c0_i32_1 = arith.constant 0 : i32
    return %c0_i32, %c0_i32_0 : i32, i32
  }
  func.func @transform_8(%arg0: i32) -> (i32, i32) {
    %c0_i32 = arith.constant 0 : i32
    %c0_i32_0 = arith.constant 0 : i32
    %c0_i32_1 = arith.constant 0 : i32
    return %c0_i32, %c0_i32_0 : i32, i32
  }
  func.func @transform_9(%arg0: i32) -> (i32, i32) {
    %c0_i32 = arith.constant 0 : i32
    %c0_i32_0 = arith.constant 0 : i32
    %c0_i32_1 = arith.constant 0 : i32
    return %c0_i32, %c0_i32_0 : i32, i32
  }
  func.func @transform_10(%arg0: i32) -> (i32, i32) {
    %c0_i32 = arith.constant 0 : i32
    %c0_i32_0 = arith.constant 0 : i32
    return %arg0, %c0_i32 : i32, i32
  }
  func.func @transform_11(%arg0: i32) -> (i32, i32) {
    %c0_i32 = arith.constant 0 : i32
    %c0_i32_0 = arith.constant 0 : i32
    return %arg0, %c0_i32 : i32, i32
  }
  func.func @transform_12(%arg0: i32) -> (i32, i32) {
    %c0_i32 = arith.constant 0 : i32
    %c0_i32_0 = arith.constant 0 : i32
    %c0_i32_1 = arith.constant 0 : i32
    return %c0_i32, %c0_i32_0 : i32, i32
  }
  func.func @transform_13(%arg0: i32) -> (i32, i32) {
    %c0_i32 = arith.constant 0 : i32
    %c0_i32_0 = arith.constant 0 : i32
    %c0_i32_1 = arith.constant 0 : i32
    return %c0_i32, %c0_i32_0 : i32, i32
  }
}

module attributes {stable_mosaic.version = 14 : i64} {
  func.func @_encode_body(%arg0: memref<4x8960xf32, #tpu.memory_space<vmem>>, %arg1: memref<4x8960xf32, #tpu.memory_space<vmem>>, %arg2: memref<4x8960xf32, #tpu.memory_space<vmem>>) attributes {dimension_semantics = [], scalar_prefetch = 0 : i64, scratch_operands = 0 : i64, tpu.core_type = #tpu.core_type<tc>} {
    %get3A = arith.constant 0 : index
    %get3A_0 = arith.constant 0 : index
    %get3A_1 = vector.load %arg0[%get3A, %get3A_0] : memref<4x8960xf32, #tpu.memory_space<vmem>>, vector<1x8960xf32>
    %get3A_2 = arith.constant 1 : index
    %get3A_3 = arith.constant 0 : index
    %get3A_4 = vector.load %arg0[%get3A_2, %get3A_3] : memref<4x8960xf32, #tpu.memory_space<vmem>>, vector<1x8960xf32>
    %get3A_5 = arith.constant 2 : index
    %get3A_6 = arith.constant 0 : index
    %get3A_7 = vector.load %arg0[%get3A_5, %get3A_6] : memref<4x8960xf32, #tpu.memory_space<vmem>>, vector<1x8960xf32>
    %get3A_8 = arith.constant 3 : index
    %get3A_9 = arith.constant 0 : index
    %get3A_10 = vector.load %arg0[%get3A_8, %get3A_9] : memref<4x8960xf32, #tpu.memory_space<vmem>>, vector<1x8960xf32>
    %get3A_11 = arith.constant 0 : index
    %get3A_12 = arith.constant 0 : index
    %get3A_13 = vector.load %arg1[%get3A_11, %get3A_12] : memref<4x8960xf32, #tpu.memory_space<vmem>>, vector<1x8960xf32>
    %get3A_14 = arith.constant 1 : index
    %get3A_15 = arith.constant 0 : index
    %get3A_16 = vector.load %arg1[%get3A_14, %get3A_15] : memref<4x8960xf32, #tpu.memory_space<vmem>>, vector<1x8960xf32>
    %get3A_17 = arith.constant 2 : index
    %get3A_18 = arith.constant 0 : index
    %get3A_19 = vector.load %arg1[%get3A_17, %get3A_18] : memref<4x8960xf32, #tpu.memory_space<vmem>>, vector<1x8960xf32>
    %get3A_20 = arith.constant 3 : index
    %get3A_21 = arith.constant 0 : index
    %get3A_22 = vector.load %arg1[%get3A_20, %get3A_21] : memref<4x8960xf32, #tpu.memory_space<vmem>>, vector<1x8960xf32>
    %add3A = arith.addf %get3A_1, %get3A_7 : vector<1x8960xf32>
    %div3A = arith.constant 2.000000e+00 : f32
    %div3A_23 = vector.broadcast %div3A : f32 to vector<1x8960xf32>
    %div3A_24 = arith.divf %add3A, %div3A_23 : vector<1x8960xf32>
    %add3A_25 = arith.addf %get3A_4, %get3A_10 : vector<1x8960xf32>
    %div3A_26 = arith.constant 2.000000e+00 : f32
    %div3A_27 = vector.broadcast %div3A_26 : f32 to vector<1x8960xf32>
    %div3A_28 = arith.divf %add3A_25, %div3A_27 : vector<1x8960xf32>
    %sub3A = arith.subf %get3A_7, %get3A_1 : vector<1x8960xf32>
    %sub3A_29 = arith.subf %get3A_10, %get3A_4 : vector<1x8960xf32>
    %sub3A_30 = arith.subf %div3A_24, %get3A_13 : vector<1x8960xf32>
    %div3A_31 = arith.divf %sub3A_30, %get3A_19 : vector<1x8960xf32>
    %div3A_32 = arith.constant 1.000000e-01 : f32
    %div3A_33 = vector.broadcast %div3A_32 : f32 to vector<1x8960xf32>
    %div3A_34 = arith.divf %div3A_31, %div3A_33 : vector<1x8960xf32>
    %swap3A = arith.constant 0 : index
    %swap3A_35 = arith.constant 0 : index
    %swap3A_36 = vector.load %arg2[%swap3A, %swap3A_35] : memref<4x8960xf32, #tpu.memory_space<vmem>>, vector<1x8960xf32>
    tpu.vector_store %arg2[%swap3A, %swap3A_35], %div3A_34 {strides = array<i32>} : memref<4x8960xf32, #tpu.memory_space<vmem>>, vector<1x8960xf32>,
    %sub3A_37 = arith.subf %div3A_28, %get3A_16 : vector<1x8960xf32>
    %div3A_38 = arith.divf %sub3A_37, %get3A_22 : vector<1x8960xf32>
    %div3A_39 = arith.constant 1.000000e-01 : f32
    %div3A_40 = vector.broadcast %div3A_39 : f32 to vector<1x8960xf32>
    %div3A_41 = arith.divf %div3A_38, %div3A_40 : vector<1x8960xf32>
    %swap3A_42 = arith.constant 1 : index
    %swap3A_43 = arith.constant 0 : index
    %swap3A_44 = vector.load %arg2[%swap3A_42, %swap3A_43] : memref<4x8960xf32, #tpu.memory_space<vmem>>, vector<1x8960xf32>
    tpu.vector_store %arg2[%swap3A_42, %swap3A_43], %div3A_41 {strides = array<i32>} : memref<4x8960xf32, #tpu.memory_space<vmem>>, vector<1x8960xf32>,
    %div3A_45 = arith.divf %sub3A, %get3A_19 : vector<1x8960xf32>
    %log3A = math.log %div3A_45 : vector<1x8960xf32>
    %div3A_46 = arith.constant 2.000000e-01 : f32
    %div3A_47 = vector.broadcast %div3A_46 : f32 to vector<1x8960xf32>
    %div3A_48 = arith.divf %log3A, %div3A_47 : vector<1x8960xf32>
    %swap3A_49 = arith.constant 2 : index
    %swap3A_50 = arith.constant 0 : index
    %swap3A_51 = vector.load %arg2[%swap3A_49, %swap3A_50] : memref<4x8960xf32, #tpu.memory_space<vmem>>, vector<1x8960xf32>
    tpu.vector_store %arg2[%swap3A_49, %swap3A_50], %div3A_48 {strides = array<i32>} : memref<4x8960xf32, #tpu.memory_space<vmem>>, vector<1x8960xf32>,
    %div3A_52 = arith.divf %sub3A_29, %get3A_22 : vector<1x8960xf32>
    %log3A_53 = math.log %div3A_52 : vector<1x8960xf32>
    %div3A_54 = arith.constant 2.000000e-01 : f32
    %div3A_55 = vector.broadcast %div3A_54 : f32 to vector<1x8960xf32>
    %div3A_56 = arith.divf %log3A_53, %div3A_55 : vector<1x8960xf32>
    %swap3A_57 = arith.constant 3 : index
    %swap3A_58 = arith.constant 0 : index
    %swap3A_59 = vector.load %arg2[%swap3A_57, %swap3A_58] : memref<4x8960xf32, #tpu.memory_space<vmem>>, vector<1x8960xf32>
    tpu.vector_store %arg2[%swap3A_57, %swap3A_58], %div3A_56 {strides = array<i32>} : memref<4x8960xf32, #tpu.memory_space<vmem>>, vector<1x8960xf32>,
    return
  }
}

</mosaic_0001>

<sc_bundles>
// kernel: kernel.5.cloned.1.call-start
scs
__scs_entry_jumppad:
0x0: {  	(pc) =	sbr.rel $0x88, $3  }
0x1: {  	(tag) =	ssettag $0x0;
	lr =	simm.s32 $0x1  }
0x2: {  	[smem:$0x3F9D] =	sst lr;
	_ =	strace $0xD0000000  }
0x3: {  	_ = 	snop  }
0x4: {  	_ = 	snop  }
0x5: {  	_ = 	snop  }
0x6: {  	_ = 	snop  }
0x7: {  	_ = 	snop  }
__scs_overlays_trampoline_lowered:
0x8: {  	[smem:$0x3FAC] =	sst s0  }
0x9: {  	[smem:$0x3FAD] =	sst s1  }
0xa: {  	[smem:$0x3FAE] =	sst s2  }
0xb: {  	[smem:$0x3FAF] =	sst s3  }
0xc: {  	[smem:$0x3FB0] =	sst s4  }
0xd: {  	[smem:$0x3FB1] =	sst s5  }
0xe: {  	[smem:$0x3FB2] =	sst s6  }
0xf: {  	[smem:$0x3FB3] =	sst s7  }
0x10: {  	[smem:$0x3FB4] =	sst s8  }
0x11: {  	[smem:$0x3FB5] =	sst s9;
	s0 =	simm.s32 @!p0 $0x0  }
0x12: {  	s1 =	sld [smem:$0x3F9B];
	s0 =	simm.s32 @p0 $0x1  }
0x13: {  	[smem:$0x3FB6] =	sst s0;
	s0 =	simm.s32 @!p1 $0x0  }
0x14: {  	s2 =	sld [smem:$0x3F9A];
	s0 =	simm.s32 @p1 $0x1  }
0x15: {  	[smem:$0x3FB7] =	sst s0;
	s0 =	simm.s32 @!p2 $0x0  }
0x16: {  	s3 =	sld [smem:$0x3FDB];
	s0 =	simm.s32 @p2 $0x1  }
0x17: {  	s4 =	simm.s32 $0x1BF5;
	[smem:$0x3FB9] =	sst s0  }
0x18: {  	s0 =	sld [smem:$0x3F9C];
	_ =	swait.ge [sflag:s4], $0x0  }
0x19: {  	s7 =	sld [smem:$0x3F9D]  }
0x1a: {  	s8 =	sadd.s32 $0xFFFFE003, lr  }
0x1b: {  	s9 =	sadd.s32 $0xFFFFFEF7, lr;
	s5 =	simm.s32 $0xFFFFFFFF;
	p2 =	slt.u32 s8, $0xFFFFF086  }
0x1c: {  	p1 =	slt.u32 s9, $0xF7A;
	s5 =	simm.s32 @!p2 $0x0  }
0x1d: {  	s5 =	simm.s32 @p1 $0x1;
	p0 =	seq.s32 s7, s2  }
0x1e: {  	s7 =	smul.u32 @!p0 $0xF7A, s2;
	p2 =	seq.s32 @!p0 s5, $0x0  }
0x1f: {  	s9 =	smul.u32 $0xF7A, s1;
	s8 =	simm.s32 @!p0 $0x1BF5;
	p2 =	por !p2, p0  }
0x20: {  	[sflag:s8] =	ssyncset.s32 @!p0 $0xFFFFF086;
	s6 =	sadd.s32 @!p0 s3, s7;
	s7 =	simm.s32 @!p0 $0x108  }
0x21: {  	s3 =	sadd.s32 s3, s9;
	s6 =	sadd.s32 @!p0 $0x88, s6;
	s7 =	simm.s32 @p2 $0x1082  }
0x22: {  	[simem:s7], [sflag:s8] =	dma.local @!p0 [hbm:s6], $0xF7A  }
0x23: {  	s9 =	sor.u32 $0xD0000000, s2;
	s6 =	simm.s32 $0x108;
	_ =	swait.ge @!p0 [sflag:s8], $0x0  }
0x24: {  	s3 =	sadd.s32 $0x88, s3;
	s6 =	simm.s32 @!p1 $0x1082;
	[sflag:s4] =	ssyncset.s32 $0xFFFFF086  }
0x25: {  	[simem:s6], [sflag:s4] =	dma.local [hbm:s3], $0xF7A  }
0x26: {  	[smem:$0x3F9D] =	sst s1;
	(tag) =	ssettag s2;
	_ =	strace s9  }
0x27: {  	s1 =	sld [smem:$0x3FAD]  }
0x28: {  	s2 =	sld [smem:$0x3FAE]  }
0x29: {  	s4 =	sld [smem:$0x3FB0]  }
0x2a: {  	p0 =	seq.s32 s5, $0x0;
	s5 =	sld [smem:$0x3FB1]  }
0x2b: {  	s6 =	sld [smem:$0x3FB2]  }
0x2c: {  	s7 =	sld [smem:$0x3FB3]  }
0x2d: {  	s3 =	simm.s32 $0x108;
	s8 =	sld [smem:$0x3FB4]  }
0x2e: {  	s3 =	simm.s32 @!p0 $0x1082;
	s9 =	sld [smem:$0x3FB5]  }
0x2f: {  	lr =	sadd.s32 s0, s3;
	s0 =	sld [smem:$0x3FAC]  }
0x30: {  	s3 =	sld [smem:$0x3FAF]  }
0x31: {  	[smem:$0x3FB8] =	sst s10  }
0x32: {  	s10 =	sld [smem:$0x3FB6];
	_ =	sdelay $0x3  }
0x33: {  	p0 =	seq.s32 s10, $0x1;
	s10 =	sld [smem:$0x3FB8];
	_ =	sdelay $0x3  }
0x34: {  	[smem:$0x3FB8] =	sst s10  }
0x35: {  	s10 =	sld [smem:$0x3FB7];
	_ =	sdelay $0x3  }
0x36: {  	p1 =	seq.s32 s10, $0x1;
	s10 =	sld [smem:$0x3FB8];
	_ =	sdelay $0x3  }
0x37: {  	[smem:$0x3FB8] =	sst s10  }
0x38: {  	s10 =	sld [smem:$0x3FB9]  }
0x39: {  	_ = 	snop;
	(pc) =	sbr.ind lr, $3  }
0x3a: {  	_ = 	snop  }
0x3b: {  	_ = 	snop  }
0x3c: {  	p2 =	seq.s32 s10, $0x1;
	s10 =	sld [smem:$0x3FB8]  }
0x3d: {  	_ =	shalt  }
0x3e: {  	_ =	shalt  }
0x3f: {  	_ =	shalt  }
0x40: {  	_ =	shalt  }
0x41: {  	_ =	shalt  }
0x42: {  	_ =	shalt  }
0x43: {  	_ =	shalt  }
0x44: {  	_ =	shalt  }
0x45: {  	_ =	shalt  }
0x46: {  	_ =	shalt  }
0x47: {  	_ =	shalt  }
0x48: {  	_ =	shalt  }
0x49: {  	_ =	shalt  }
0x4a: {  	_ =	shalt  }
0x4b: {  	_ =	shalt  }
0x4c: {  	_ =	shalt  }
0x4d: {  	_ =	shalt  }
0x4e: {  	_ =	shalt  }
0x4f: {  	_ =	shalt  }
0x50: {  	_ =	shalt  }
0x51: {  	_ =	shalt  }
0x52: {  	_ =	shalt  }
0x53: {  	_ =	shalt  }
0x54: {  	_ =	shalt  }
0x55: {  	_ =	shalt  }
0x56: {  	_ =	shalt  }
0x57: {  	_ =	shalt  }
0x58: {  	_ =	shalt  }
0x59: {  	_ =	shalt  }
0x5a: {  	_ =	shalt  }
0x5b: {  	_ =	shalt  }
0x5c: {  	_ =	shalt  }
0x5d: {  	_ =	shalt  }
0x5e: {  	_ =	shalt  }
0x5f: {  	_ =	shalt  }
0x60: {  	_ =	shalt  }
0x61: {  	_ =	shalt  }
0x62: {  	_ =	shalt  }
0x63: {  	_ =	shalt  }
0x64: {  	_ =	shalt  }
0x65: {  	_ =	shalt  }
0x66: {  	_ =	shalt  }
0x67: {  	_ =	shalt  }
0x68: {  	_ =	shalt  }
0x69: {  	_ =	shalt  }
0x6a: {  	_ =	shalt  }
0x6b: {  	_ =	shalt  }
0x6c: {  	_ =	shalt  }
0x6d: {  	_ =	shalt  }
0x6e: {  	_ =	shalt  }
0x6f: {  	_ =	shalt  }
0x70: {  	_ =	shalt  }
0x71: {  	_ =	shalt  }
0x72: {  	_ =	shalt  }
0x73: {  	_ =	shalt  }
0x74: {  	_ =	shalt  }
0x75: {  	_ =	shalt  }
0x76: {  	_ =	shalt  }
0x77: {  	_ =	shalt  }
0x78: {  	_ =	shalt  }
0x79: {  	_ =	shalt  }
0x7a: {  	_ =	shalt  }
0x7b: {  	_ =	shalt  }
0x7c: {  	_ =	shalt  }
0x7d: {  	_ =	shalt  }
0x7e: {  	_ =	shalt  }
0x7f: {  	_ =	shalt  }
0x80: {  	_ =	shalt  }
0x81: {  	_ =	shalt  }
0x82: {  	_ =	shalt  }
0x83: {  	_ =	shalt  }
0x84: {  	_ =	shalt  }
0x85: {  	_ =	shalt  }
0x86: {  	_ =	shalt  }
0x87: {  	_ =	shalt  }
.Lfunc_end0:
.L_simem_size_0:
called_computation_lowered:
.L_overlay_start_0:
0x88: {  	s0 =	sld [smem:$0x3FD9]  }
0x89: {  	s1 =	sld [smem:$0x3FFE];
	_ =	sdelay $0x3  }
0x8a: {  	s0 =	sadd.s32 s1, s0  }
0x8b: {  	[smem:$0x3FC4] =	sst s0  }
0x8c: {  	_ = 	snop  }
0x8d: {  	s0 =	sld [smem:$0x3FD0];
	_ =	sdelay $0x2  }
0x8e: {  	s2 =	simm.s32 $0xA;
	s3 =	simm.s32 $0x10;
	s13 =	sld [smem:$0x3FC6]  }
0x8f: {  	[smem:s3], [sflag:s2] =	dma.local [hbm:s0], $0x1  }
0x90: {  	_ =	swait.eq [sflag:s2], $0x1  }
0x91: {  	[sflag:s2] =	ssyncset.done $0x0  }
0x92: {  	s14 =	sld [smem:$0x10];
	[sflag:s2] =	ssyncadd.s32 $0xFFFFFFFF  }
0x93: {  	s15 =	sld [smem:$0x11];
	(tm) =	ssettm $0x1  }
0x94: {  	s16 =	sld [smem:$0x3FFB];
	_ =	sdelay $0x3  }
0x95: {  	_ =	strace s16  }
0x96: {  	s3 =	sld [smem:$0x3FFC];
	_ =	sdelay $0x3  }
0x97: {  	_ =	strace s3  }
0x98: {  	s3 =	sld [smem:$0x3FFD];
	_ =	sdelay $0x3  }
0x99: {  	_ =	strace s3  }
0x9a: {  	_ =	strace $0x8FFFFFFF  }
0x9b: {  	s17 =	sld [smem:$0x3FDB];
	_ =	sdelay $0x1  }
0x9c: {  	s4 =	simm.s32 $_scs_section_size  }
0x9d: {  	s5 =	simm.s32 $_size__tile_overlayer_lowered;
	s6 =	simm.s32 $_tile_overlayer_lowered  }
0x9e: {  	s20 =	simm.s32 $0x1BFF;
	s19 =	sshll.u32 s6, $0x1;
	s3 =	sadd.s32 s4, s17  }
0x9f: {  	s7 =	simm.s32 $0x0;
	s18 =	sshll.u32 s5, $0x1;
	s5 =	sadd.s32 s19, s3  }
0xa0: {  	[timem:s7], [sflag:s20] =	dma.local [hbm:s5], s18  }
0xa1: {  	_ =	swait.ge [sflag:s20], s18  }
0xa2: {  	s4 =	ssub.s32 $0x0, s18;
	[sflag:s20] =	ssyncset.done $0x0  }
0xa3: {  	[sflag:s20] =	ssyncadd.s32 s4;
	_ =	sdelay $0x1  }
0xa4: {  	s21 =	simm.s32 $0x1B8B  }
0xa5: {  	_ =	swait.ge [sflag:s21], $0x1  }
0xa6: {  	[sflag:s21] =	ssyncset.done $0x0  }
0xa7: {  	s23 =	simm.s32 $0x1B8E;
	s22 =	sld [smem:$0x3FFE];
	[sflag:s21] =	ssyncadd.s32 $0xFFFFFFFF  }
0xa8: {  	s24 =	simm.s32 $execute0_lowered;
	[smem:$0x3FD2] =	sst s23  }
0xa9: {  	s5 =	sshll.u32 s24, $0x1;
	_ =	strace $0x80000046;
	[dreg:$0x1] =	wrdreg $0xFFFFFFFF  }
0xaa: {  	s25 =	simm.s32 $_size_execute0_lowered;
	s3 =	sadd.s32 s3, s5;
	[dreg:$0x0] =	wrdreg $0x0  }
0xab: {  	s5 =	sshll.u32 s25, $0x1;
	[dreg:$0x2] =	wrdreg s3  }
0xac: {  	[dreg:$0x3] =	wrdreg s5  }
0xad: {  	[dreg:$0x4] =	wrdreg $0xC0  }
0xae: {  	_ =	task [dreg:s7], $0x5FFFF  }
0xaf: {  	[dreg:$0x1] =	wrdreg $0xFFFFFFFF  }
0xb0: {  	[dreg:$0x0] =	wrdreg $0x60  }
0xb1: {  	[dreg:$0x2] =	wrdreg s22  }
0xb2: {  	[dreg:$0x3] =	wrdreg s14  }
0xb3: {  	[dreg:$0x4] =	wrdreg s13  }
0xb4: {  	[dreg:$0x5] =	wrdreg s15  }
0xb5: {  	[dreg:$0x6] =	wrdreg $0x23800  }
0xb6: {  	[dreg:$0x7] =	wrdreg $0x9  }
0xb7: {  	_ =	task.clear_ibuf [dreg:s7], $0x8FFFF;
	_ =	strace $0x90000046  }
0xb8: {  	s26 =	simm.s32 $0x9;
	_ =	strace $0x80000048  }
0xb9: {  	_ =	swait.ge [sflag:s26], $0x1  }
0xba: {  	[sflag:s26] =	ssyncadd.s32 $0xFFFFFFFF  }
0xbb: {  	_ =	strace $0x90000048  }
0xbc: {  	_ =	sfence  }
0xbd: {  	s28 =	sld [smem:$0x0];
	_ =	sdelay $0x1  }
0xbe: {  	s29 =	srdreg.scid  }
0xbf: {  	s30 =	sshll.u32 s29, $0xD;
	s31 =	sshrl.u32 s29, $0x2  }
0xc0: {  	s1 =	sand.u32 $0x1, s29;
	s2 =	sand.u32 $0x4000, s30;
	s0 =	sadd.s32 s31, s28  }
0xc1: {  	s1 =	sor.u32 s2, s1;
	s0 =	sshll.u32 s0, $0x11  }
0xc2: {  	s0 =	sor.u32 s0, s1  }
0xc3: {  	s0 =	sadd.s32 $0x8F2B, s0  }
0xc4: {  	[sflag:s0] =	ssyncadd.remote.s32 $0x1  }
0xc5: {  	_ =	sfence.sel $0xFFFF  }
0xc6: {  	[dreg:$0x0] =	wrdreg $0xFFFFFFFF;
	(pc) =	sbr.abs _section_cstart, $3  }
0xc7: {  	[dreg:$0x1] =	wrdreg $0xFFFFFFFF  }
0xc8: {  	_ =	task.clear_ibuf [dreg:s7], $0x2FFFF;
	_ =	strace $0x9FFFFFFF  }
0xc9: {  	(tm) =	ssettm $0x7FFFFFFF  }
tec
execute0_lowered:
.L_overlay_start_1:
0x0: {  	(tag) =	ssettag $0x1  }
0x1: {  	s5 =	rddreg [dreg:$0x0]  }
0x2: {  	s1 =	rddreg [dreg:$0x1]  }
0x3: {  	s3 =	rddreg [dreg:$0x2]  }
0x4: {  	s2 =	rddreg [dreg:$0x3]  }
0x5: {  	s4 =	rddreg [dreg:$0x4]  }
0x6: {  	s0 =	rddreg [dreg:$0x5];
	s6 =	simm.s32 $0x0  }
0x7: {  	[smem:$0x7FF] =	sst s6  }
0x8: {  	s9 =	simm.s32 $0x1;
	s7 =	sadd.s32 $0x1800, s5;
	_ =	strace $0x80000047  }
0x9: {  	[tilespmem:s6], [sflag:$0x1] =	stream.linear.gather [hbm4b:s7+s6], $0x2300, $0x38;
	[tilespmem:$0xC000] =	vst v63  }
0xa: {  	_ =	swait.ge [sflag:s9], $0x2300  }
0xb: {  	v0 =	vimm.s32 $0xFEDCBA9;
	v1 =	vimm.s32 $0x87654321;
	v2 =	vimm.s32 $0x10FEDCBA;
	[sflag:s9] =	ssyncset.done $0x0  }
0xc: {  	s25 =	simm.s32 $0x4800;
	v3 =	vimm.s32 $0x98765432;
	v4 =	vimm.s32 $0x3210FEDC;
	[sflag:s9] =	ssyncadd.s32 $0xFFFFDD00  }
0xd: {  	v5 =	vimm.s32 $0xBA987654;
	[tilespmem:s25], [sflag:$0x1] =	stream.linear.gather [hbm4b:s1+s6], $0x4E80, $0x38;
	[tilespmem:$0xC000] =	vst v63  }
0xe: {  	vm7 =	vmmov $0x7fff;
	v6 =	vimm.s32 $0x43210FED;
	v7 =	vimm.s32 $0xCBA98765;
	_ =	swait.ge [sflag:s9], $0x4E80  }
0xf: {  	s26 =	simm.s32 $0x9680;
	vm8 =	vmmov $0x3fff;
	vm9 =	vmmov $0x1fff;
	vm6 =	vmmov $0xfff;
	s1 =	stileid.u32;
	[sflag:s9] =	ssyncset.done $0x0  }
0x10: {  	vm11 =	vmmov $0x7ff;
	v8 =	vimm.s32 $0xEDCBA987;
	v19 =	vimm.s32 $0xFEDCBA98;
	s8 =	smul.u32 $0x140, s1;
	[sflag:s9] =	ssyncadd.s32 $0xFFFFB180  }
0x11: {  	v20 =	vimm.s32 $0x76543210;
	vm5 =	vmmov $0x3ff;
	vm0 =	vmmov $0x1ff;
	[tilespmem:s26], [sflag:$0x1] =	stream.linear.gather [hbm4b:s3+s6], $0x1400, $0x38;
	[tilespmem:$0xC000] =	vst v63  }
0x12: {  	vm3 =	vmmov $0xff;
	vm1 =	vmmov $0x7f;
	vm4 =	vmmov $0x3f;
	s28 =	sshrl.u32 s8, $0x3;
	_ =	swait.ge [sflag:s9], $0x1400  }
0x13: {  	s10 =	simm.s32 $0x4680;
	vm10 =	vmmov $0x1f;
	v0 =	vunpack.c.l.s4.s8 v0;
	v1 =	vunpack.c.l.s4.s8 v1;
	s3 =	sadd.s32 s28, s5;
	[sflag:s9] =	ssyncset.done $0x0  }
0x14: {  	v2 =	vunpack.c.l.s4.s8 v2;
	v3 =	vunpack.c.l.s4.s8 v3;
	v4 =	vunpack.c.l.s4.s8 v4;
	s7 =	smul.u32 $0x230, s1;
	s3 =	sadd.s32 $0xE00, s3;
	[sflag:s9] =	ssyncadd.s32 $0xFFFFEC00  }
0x15: {  	v5 =	vunpack.c.l.s4.s8 v5;
	v6 =	vunpack.c.l.s4.s8 v6;
	v7 =	vunpack.c.l.s4.s8 v7;
	[tilespmem:s10], [sflag:$0x1] =	stream.linear.gather [hbm4b:s3+s6], $0x140, $0x38;
	[tilespmem:$0xC000] =	vst v63  }
0x16: {  	v8 =	vunpack.c.l.s4.s8 v8;
	v19 =	vunpack.c.l.s4.s8 v19;
	v9 =	vunpack.c.0.s8.s32 v0;
	s3 =	sshrl.u32 s7, $0x3;
	_ =	swait.ge [sflag:s9], $0x140  }
0x17: {  	s12 =	simm.s32 $0xAA80;
	v10 =	vunpack.c.0.s8.s32 v1;
	v11 =	vunpack.c.0.s8.s32 v2;
	v12 =	vunpack.c.0.s8.s32 v3;
	s29 =	sadd.s32 s3, s5;
	[sflag:s9] =	ssyncset.done $0x0  }
0x18: {  	v2 =	vimm.s32 $0x210FEDCB;
	v3 =	vimm.s32 $0xA9876543;
	v15 =	vunpack.c.0.s8.s32 v4;
	s11 =	sadd.s32 $0x800, s29;
	[sflag:s9] =	ssyncadd.s32 $0xFFFFFEC0  }
0x19: {  	v16 =	vunpack.c.0.s8.s32 v5;
	v17 =	vunpack.c.0.s8.s32 v6;
	v5 =	vimm.s32 $0x543210FE;
	[tilespmem:s12], [sflag:$0x1] =	stream.linear.gather [hbm4b:s11+s6], $0x230, $0x38;
	[tilespmem:$0xC000] =	vst v63  }
0x1a: {  	v18 =	vunpack.c.0.s8.s32 v7;
	v6 =	vimm.s32 $0xDCBA9876;
	v7 =	vimm.s32 $0x6543210F;
	_ =	swait.ge [sflag:s9], $0x230  }
0x1b: {  	v23 =	vunpack.c.0.s8.s32 v8;
	v2 =	vunpack.c.l.s4.s8 v2;
	v3 =	vunpack.c.l.s4.s8 v3;
	[sflag:s9] =	ssyncset.done $0x0  }
0x1c: {  	s30 =	simm.s32 $0xAD00;
	v5 =	vunpack.c.l.s4.s8 v5;
	v0 =	vcombine.low v10, v9;
	v1 =	vcombine.low v12, v11;
	s10 =	sadd.s32 $0x1200, s29;
	[sflag:s9] =	ssyncadd.s32 $0xFFFFFDD0  }
0x1d: {  	v7 =	vunpack.c.l.s4.s8 v7;
	v4 =	vcombine.low v18, v17;
	v9 =	vcombine.low v9, v10;
	[tilespmem:s30], [sflag:$0x1] =	stream.linear.gather [hbm4b:s10+s6], $0x230, $0x38;
	[tilespmem:$0xC000] =	vst v63  }
0x1e: {  	v6 =	vunpack.c.l.s4.s8 v6;
	v10 =	vcombine.low v11, v12;
	v12 =	vcombine.low v15, v16;
	_ =	swait.ge [sflag:s9], $0x230  }
0x1f: {  	v13 =	vunpack.c.0.s8.s32 v2;
	v62 =	vunpack.c.0.s8.s32 v7;
	v7 =	vunpack.c.0.s8.s32 v19;
	[sflag:s9] =	ssyncset.done $0x0  }
0x20: {  	s31 =	simm.s32 $0x0;
	v14 =	vunpack.c.0.s8.s32 v3;
	v21 =	vunpack.c.0.s8.s32 v5;
	v22 =	vunpack.c.0.s8.s32 v6;
	[sflag:s9] =	ssyncadd.s32 $0xFFFFFDD0  }
0x21: {  	v3 =	vcombine.low v16, v15;
	v6 =	vunpack.c.l.s4.s8 v20;
	v19 =	vand.u32 $0xF, v7;
	v7 =	vld [tilespmem:s31+$0x4680]  }
0x22: {  	vm2 =	vmmov $0xf;
	v2 =	vcombine.low v14, v13;
	v5 =	vcombine.low v22, v21  }
0x23: {  	v8 =	vunpack.c.0.s8.s32 v6;
	v6 =	vcombine.low v23, v62;
	v11 =	vcombine.low v13, v14  }
0x24: {  	vm12 =	vmmov $0x7;
	v13 =	vcombine.low v17, v18;
	v14 =	vcombine.low v21, v22  }
0x25: {  	v15 =	vcombine.low v62, v23;
	v18 =	vimm.s32 $0x0;
	v8 =	vcombine.low v19, v8  }
0x26: {  	v18 =	vsel vm12, $0xFFFFFFFF, v18;
	v16 =	vperm.xlane v7, v0;
	v17 =	vperm.xlane v7, v2  }
0x27: {  	vm12 =	vmmov vm0;
	[tilespmem:$0x1FFF0] =	vst v18;
	v18 =	vperm.xlane v7, v8;
	v19 =	vperm.xlane v7, v1  }
0x28: {  	v63 =	vperm.xlane v7, v6;
	vm13 =	veq.s32 v16, v7;
	v16 =	vperm.xlane v7, v4  }
0x29: {  	vm14 =	veq.s32 v17, v7;
	vm15 =	veq.s32 v19, v7;
	v19 =	vimm.s32 $0x0  }
0x2a: {  	v17 =	vperm.xlane v7, v3;
	v19 =	vsel vm7, $0xFFFFFFFF, v19;
	vm13 =	vmand vm13, vm7  }
0x2b: {  	vm14 =	vmand vm14, vm9;
	vm15 =	vmand vm15, vm8;
	[tilespmem:$0x1FF90] =	vst v19;
	v19 =	vimm.s32 $0x0  }
0x2c: {  	vm13 =	vmor vm13, vm15;
	vm15 =	veq.s32 v17, v7;
	v19 =	vsel vm9, $0xFFFFFFFF, v19  }
0x2d: {  	vm13 =	vmor vm13, vm14;
	vm14 =	veq.s32 v16, v7;
	v16 =	vimm.s32 $0x0  }
0x2e: {  	vm15 =	vmand vm15, vm6;
	[tilespmem:$0x1FFA0] =	vst v19;
	v19 =	vimm.s32 $0x0;
	v16 =	vsel vm6, $0xFFFFFFFF, v16  }
0x2f: {  	vm14 =	vmand vm14, vm11;
	v19 =	vsel vm8, $0xFFFFFFFF, v19;
	[tilespmem:$0x1FFC0] =	vst v16;
	v16 =	vimm.s32 $0x0  }
0x30: {  	vm13 =	vmor vm13, vm15;
	[tilespmem:$0x1FFB0] =	vst v19;
	v19 =	vperm.xlane v7, v5;
	v16 =	vsel vm11, $0xFFFFFFFF, v16  }
0x31: {  	v17 =	vperm.xlane v7, v10;
	vm13 =	vmor vm13, vm14;
	[tilespmem:$0x1FFD0] =	vst v16;
	v16 =	vimm.s32 $0x0  }
0x32: {  	vm14 =	veq.s32 v63, v7;
	vm15 =	veq.s32 v19, v7;
	v16 =	vsel vm5, $0xFFFFFFFF, v16  }
0x33: {  	vm8 =	vmmov vm1;
	[tilespmem:$0x1FFE0] =	vst v16;
	vm15 =	vmand vm15, vm5;
	v16 =	vperm.xlane v7, v9  }
0x34: {  	vm14 =	vmand vm14, vm0;
	vm13 =	vmor vm13, vm15;
	vm15 =	veq.s32 v18, v7  }
0x35: {  	vm13 =	vmor vm13, vm14;
	vm14 =	veq.s32 v16, v7;
	vm15 =	vmand vm15, vm3  }
0x36: {  	v18 =	vld [tilespmem:$0x1FFF0];
	v16 =	vperm.xlane v7, v11;
	vm13 =	vmor vm13, vm15;
	vm15 =	veq.s32 v17, v7  }
0x37: {  	vm14 =	vmand vm14, vm1;
	v17 =	vperm.xlane v7, v12;
	vm15 =	vmand vm15, vm4  }
0x38: {  	vm13 =	vmor vm13, vm14;
	vm14 =	veq.s32 v16, v7;
	v16 =	vperm.xlane v7, v13  }
0x39: {  	vm13 =	vmor vm13, vm15;
	vm15 =	veq.s32 v17, v7;
	vm14 =	vmand vm14, vm10  }
0x3a: {  	v17 =	vperm.xlane v7, v14;
	vm15 =	vmand vm15, vm2;
	vm13 =	vmor vm13, vm14  }
0x3b: {  	vm14 =	veq.s32 v16, v7;
	v16 =	vperm.xlane v7, v15;
	vm0 =	vnez.u8 v18  }
0x3c: {  	vm11 =	vmmov vm0;
	vm14 =	vmand vm14, vm0;
	vm15 =	vmor vm13, vm15  }
0x3d: {  	vm13 =	vmmov $0x3;
	vm0 =	vmor vm15, vm14;
	vm14 =	veq.s32 v17, v7  }
0x3e: {  	vm1 =	veq.s32 v16, v7;
	vm15 =	vmand vm14, vm13;
	vm14 =	vmmov $0x1  }
0x3f: {  	v16 =	vlaneseq.u32;
	vm0 =	vmor vm0, vm15;
	vm15 =	vmand vm1, vm14  }
0x40: {  	vm7 =	vmmov vm4;
	v17 =	vor.u32 s8, v16;
	vm15 =	vmor vm0, vm15  }
0x41: {  	vm9 =	vmmov vm10;
	vm0 =	vmneg vm15;
	vm15 =	vlt.u32 v17, $0x1388  }
0x42: {  	s5 =	sadd.s32 $0x1E00, s5;
	s9 =	simm.s32 $0x40;
	vm6 =	vmmov vm3;
	vm10 =	vmmov vm2;
	vm15 =	vmand vm15, vm0  }
.LBB2_1:
0x43: {  	_ =	sdelay $0x3  }
0x44: {  	s10 =	smov.u32 s9  }
0x45: {  	[tilespmem:v7+s6+$0x0] =	vst.idx.msk vm15, v17;
	s10 =	sshra.s32 s10, $0x2  }
0x46: {  	v7 =	vld [tilespmem:s10+$0x4680];
	_ =	sdelay $0x1  }
0x47: {  	v22 =	vld [tilespmem:$0x1FF90];
	_ =	sdelay $0x1  }
0x48: {  	v23 =	vld [tilespmem:$0x1FFA0]  }
0x49: {  	v17 =	vperm.xlane v7, v0  }
0x4a: {  	v19 =	vperm.xlane v7, v2  }
0x4b: {  	vm0 =	vnez.u8 v22;
	vm15 =	veq.s32 v17, v7  }
0x4c: {  	vm15 =	vmand vm15, vm0;
	vm0 =	veq.s32 v19, v7;
	v19 =	vperm.xlane v7, v3  }
0x4d: {  	vm1 =	vnez.u8 v23  }
0x4e: {  	vm0 =	vmand vm0, vm1;
	vm1 =	veq.s32 v19, v7;
	v19 =	vld [tilespmem:$0x1FFD0];
	_ =	sdelay $0x4  }
0x4f: {  	vm4 =	vnez.u8 v19;
	v19 =	vld [tilespmem:$0x1FFB0];
	_ =	sdelay $0x4  }
0x50: {  	vm5 =	vnez.u8 v19;
	v19 =	vld [tilespmem:$0x1FFE0];
	_ =	sdelay $0x1  }
0x51: {  	v62 =	vperm.xlane v7, v1;
	_ =	sdelay $0x1  }
0x52: {  	vm3 =	veq.s32 v62, v7  }
0x53: {  	vm3 =	vmand vm3, vm5;
	vm5 =	vnez.u8 v19;
	v19 =	vld [tilespmem:$0x1FFC0]  }
0x54: {  	v18 =	vperm.xlane v7, v12;
	v17 =	vperm.xlane v7, v4  }
0x55: {  	v20 =	vperm.xlane v7, v8;
	v63 =	vperm.xlane v7, v5  }
0x56: {  	v21 =	vperm.xlane v7, v6;
	vm2 =	veq.s32 v17, v7;
	v17 =	vperm.xlane v7, v9  }
0x57: {  	vm2 =	vmand vm2, vm4;
	vm4 =	veq.s32 v63, v7;
	vm3 =	vmor vm15, vm3  }
0x58: {  	vm4 =	vmand vm4, vm5;
	vm5 =	veq.s32 v21, v7;
	vm15 =	vnez.u8 v19  }
0x59: {  	vm0 =	vmor vm3, vm0;
	vm3 =	vmand vm5, vm12;
	vm1 =	vmand vm1, vm15  }
0x5a: {  	v19 =	vperm.xlane v7, v10;
	vm15 =	veq.s32 v20, v7;
	vm0 =	vmor vm0, vm1  }
0x5b: {  	vm1 =	veq.s32 v17, v7;
	v17 =	vperm.xlane v7, v11;
	vm0 =	vmor vm0, vm2  }
0x5c: {  	vm5 =	veq.s32 v19, v7;
	v19 =	vperm.xlane v7, v15;
	vm0 =	vmor vm0, vm4  }
0x5d: {  	vm2 =	vmand vm15, vm6;
	vm1 =	vmand vm1, vm8;
	vm0 =	vmor vm0, vm3  }
0x5e: {  	vm4 =	veq.s32 v17, v7;
	v17 =	vperm.xlane v7, v13;
	vm0 =	vmor vm0, vm2  }
0x5f: {  	vm3 =	vmand vm5, vm7;
	vm5 =	veq.s32 v18, v7;
	vm0 =	vmor vm0, vm1  }
0x60: {  	v18 =	vperm.xlane v7, v14;
	vm2 =	vmand vm4, vm9;
	vm0 =	vmor vm0, vm3  }
0x61: {  	vm1 =	vmand vm5, vm10;
	vm3 =	veq.s32 v17, v7;
	vm0 =	vmor vm0, vm2  }
0x62: {  	p0 =	sne.s32 s9, $0x4C0;
	vm2 =	vmand vm3, vm11;
	vm3 =	veq.s32 v18, v7;
	vm0 =	vmor vm0, vm1  }
.Ltmp0:
0x63: {  	vm1 =	vmand vm3, vm13;
	vm3 =	veq.s32 v19, v7;
	vm0 =	vmor vm0, vm2;
	(pc) =	sbr.rel @p0 .LBB2_1-.Ltmp0, $4  }
0x64: {  	s8 =	sadd.s32 $0x10, s8;
	vm2 =	vmand vm3, vm14;
	vm0 =	vmor vm0, vm1  }
0x65: {  	v17 =	vor.u32 s8, v16;
	vm0 =	vmor vm0, vm2  }
0x66: {  	vm1 =	vlt.u32 v17, $0x1388;
	vm0 =	vmneg vm0  }
0x67: {  	s9 =	sadd.s32 $0x40, s9;
	vm15 =	vmand vm1, vm0  }
0x68: {  	_ =	sdelay $0x1  }
0x69: {  	s8 =	smul.u32 $0x8C00, s1;
	_ =	sdelay $0x1  }
0x6a: {  	s8 =	sshrl.u32 s8, $0x2  }
0x6b: {  	[tilespmem:v7+s6+$0x0] =	vst.idx.msk vm15, v17;
	s30 =	simm.s32 $0x0;
	s6 =	simm.s32 $0x1;
	s29 =	sadd.s32 s8, s4  }
0x6c: {  	[spmem:s29] =	stream.linear.scatter [tilespmem:s30], [sflag:$0x1], $0x2300, $0x38;
	[tilespmem:$0xC000] =	vst v63  }
0x6d: {  	_ =	swait.ge [sflag:s6], $0x2300  }
0x6e: {  	[sflag:s6] =	ssyncset.done $0x0  }
0x6f: {  	[sflag:s6] =	ssyncadd.s32 $0xFFFFDD00  }
0x70: {  	s31 =	simm.s32 $0xAF80;
	s4 =	sadd.s32 s7, s4;
	[bflag:$0x0] =	sbarrier.arrive $0xFFFF  }
0x71: {  	[tilespmem:s31], [sflag:$0x1] =	stream.linear.gather [spmem:s4], $0x230, $0x38;
	[tilespmem:$0xC000] =	vst v63  }
0x72: {  	_ =	swait.ge [sflag:s6], $0x230  }
0x73: {  	[sflag:s6] =	ssyncset.done $0x0  }
0x74: {  	s7 =	simm.s32 $0xB200;
	s8 =	simm.s32 $0x1;
	[sflag:s6] =	ssyncadd.s32 $0xFFFFFDD0  }
.LBB2_3:
0x75: {  	s9 =	smul.u32 $0x8C00, s8;
	_ =	sdelay $0x1  }
0x76: {  	s9 =	sshra.s32 s9, $0x2  }
0x77: {  	s9 =	sadd.s32 s9, s4  }
0x78: {  	[tilespmem:s7], [sflag:$0x1] =	stream.linear.gather [spmem:s9], $0x230, $0x38;
	[tilespmem:$0xC000] =	vst v63  }
0x79: {  	_ =	swait.ge [sflag:s6], $0x230  }
0x7a: {  	[sflag:s6] =	ssyncset.done $0x0  }
0x7b: {  	s9 =	simm.s32 $0x0;
	[sflag:s6] =	ssyncadd.s32 $0xFFFFFDD0  }
0x7c: {  	s10 =	simm.s32 $0x40;
	v0 =	vld [tilespmem:s9+$0xB200]  }
.LBB2_4:
0x7d: {  	p0 =	sne.s32 s10, $0x880;
	v1 =	vld [tilespmem:s9+$0xAF80];
	_ =	sdelay $0x2  }
.Ltmp1:
0x7e: {  	(pc) =	sbr.rel @p0 .LBB2_4-.Ltmp1, $4  }
0x7f: {  	_ = 	snop  }
0x80: {  	vm0 =	vgt.s32 v1, v0  }
0x81: {  	s11 =	sshra.s32 s10, $0x2;
	v1 =	vsel vm0, v1, v0  }
0x82: {  	s10 =	sadd.s32 $0x40, s10;
	v0 =	vld [tilespmem:s11+$0xB200];
	[tilespmem:s9+$0xAF80] =	vst v1;
	s9 =	smov.u32 s11  }
0x83: {  	v1 =	vld [tilespmem:s9+$0xAF80]  }
0x84: {  	s8 =	sadd.s32 $0x1, s8  }
0x85: {  	p0 =	sne.s32 s8, $0x10  }
.Ltmp2:
0x86: {  	_ = 	snop;
	(pc) =	sbr.rel @p0 .LBB2_3-.Ltmp2, $4  }
0x87: {  	_ = 	snop  }
0x88: {  	vm0 =	vgt.s32 v1, v0  }
0x89: {  	v0 =	vsel vm0, v1, v0  }
0x8a: {  	[tilespmem:s9+$0xAF80] =	vst v0  }
0x8b: {  	s6 =	simm.s32 $0x0  }
0x8c: {  	v0 =	vld [tilespmem:s6+$0xAF80]  }
0x8d: {  	v1 =	vld [tilespmem:s6+$0xAA80];
	_ =	sdelay $0x3  }
0x8e: {  	vm0 =	vlt.s32 v0, $0x0  }
0x8f: {  	v0 =	vsel vm0, v1, v0  }
0x90: {  	vm1 =	vgt.s32 v0, $0x0  }
0x91: {  	v0 =	vnsel vm1, $0x0, v0  }
0x92: {  	v0 =	vmin.u32 v0, $0x1387;
	_ =	sdelay $0x2  }
0x93: {  	v1 =	vld [tilespmem:s6+$0xAD00]  }
0x94: {  	s7 =	simm.s32 $0x9680  }
0x95: {  	v2 =	vld.idx.msk [tilespmem:v0+s7+$0x0], $0xffff;
	_ =	sdelay $0x1  }
0x96: {  	v0 =	vshll.u32 v0, $0x2  }
0x97: {  	vm15 =	vlt.f32 v1, $5.000000000e-01  }
0x98: {  	vm0 =	vmand vm0, vm15  }
0x99: {  	v1 =	vsel vm0, $0x0, v2  }
0x9a: {  	s4 =	simm.s32 $0x4800;
	[tilespmem:s6+$0xB480] =	vst v1  }
0x9b: {  	v1 =	vld.idx.msk [tilespmem:v0+s4+$0x0], $0xffff  }
0x9c: {  	v2 =	vor.u32 $0x1, v0;
	_ =	sdelay $0x3  }
0x9d: {  	[tilespmem:s6+$0xB700] =	vst v1  }
0x9e: {  	v3 =	vld.idx.msk [tilespmem:v2+s4+$0x0], $0xffff  }
0x9f: {  	v2 =	vor.u32 $0x2, v0;
	_ =	sdelay $0x2  }
0xa0: {  	s9 =	simm.s32 $0x10  }
0xa1: {  	s8 =	simm.s32 $0x80;
	v1 =	vld [tilespmem:s9+$0xAF80];
	[tilespmem:s6+$0xB930] =	vst v3  }
.LBB2_7:
0xa2: {  	p0 =	sne.s32 s8, $0x880;
	v2 =	vld.idx.msk [tilespmem:v2+s4+$0x0], $0xffff  }
0xa3: {  	v3 =	vld [tilespmem:s9+$0xAA80]  }
0xa4: {  	v0 =	vor.u32 $0x3, v0;
	_ =	sdelay $0x2  }
0xa5: {  	vm0 =	vlt.s32 v1, $0x0  }
0xa6: {  	v1 =	vsel vm0, v3, v1;
	[tilespmem:s6+$0xBB60] =	vst v2  }
0xa7: {  	vm1 =	vgt.s32 v1, $0x0;
	v0 =	vld.idx.msk [tilespmem:v0+s4+$0x0], $0xffff  }
0xa8: {  	v1 =	vnsel vm1, $0x0, v1  }
0xa9: {  	v1 =	vmin.u32 v1, $0x1387;
	_ =	sdelay $0x3  }
0xaa: {  	v2 =	vld [tilespmem:s9+$0xAD00];
	[tilespmem:s6+$0xBD90] =	vst v0;
	s6 =	smov.u32 s9  }
0xab: {  	v3 =	vld.idx.msk [tilespmem:v1+s7+$0x0], $0xffff;
	_ =	sdelay $0x2  }
0xac: {  	v0 =	vshll.u32 v1, $0x2  }
0xad: {  	vm1 =	vlt.f32 v2, $5.000000000e-01  }
0xae: {  	vm0 =	vmand vm0, vm1  }
0xaf: {  	v1 =	vsel vm0, $0x0, v3  }
0xb0: {  	[tilespmem:s6+$0xB480] =	vst v1  }
0xb1: {  	v1 =	vld.idx.msk [tilespmem:v0+s4+$0x0], $0xffff;
	_ =	sdelay $0x1  }
0xb2: {  	v2 =	vor.u32 $0x1, v0;
	_ =	sdelay $0x3  }
0xb3: {  	[tilespmem:s6+$0xB700] =	vst v1  }
0xb4: {  	v3 =	vld.idx.msk [tilespmem:v2+s4+$0x0], $0xffff;
	_ =	sdelay $0x1  }
.Ltmp3:
0xb5: {  	v2 =	vor.u32 $0x2, v0;
	(pc) =	sbr.rel @p0 .LBB2_7-.Ltmp3, $3  }
0xb6: {  	_ =	sdelay $0x1  }
0xb7: {  	s9 =	sshra.s32 s8, $0x2  }
0xb8: {  	s8 =	sadd.s32 $0x40, s8;
	v1 =	vld [tilespmem:s9+$0xAF80];
	[tilespmem:s6+$0xB930] =	vst v3  }
0xb9: {  	_ =	sdelay $0x2  }
0xba: {  	v3 =	vld [tilespmem:s9+$0xAA80]  }
0xbb: {  	v2 =	vld.idx.msk [tilespmem:v2+s4+$0x0], $0xffff  }
0xbc: {  	v0 =	vor.u32 $0x3, v0;
	_ =	sdelay $0x1  }
0xbd: {  	vm0 =	vlt.s32 v1, $0x0  }
0xbe: {  	v1 =	vsel vm0, v3, v1  }
0xbf: {  	[tilespmem:s6+$0xBB60] =	vst v2;
	vm1 =	vgt.s32 v1, $0x0  }
0xc0: {  	v0 =	vld.idx.msk [tilespmem:v0+s4+$0x0], $0xffff;
	v1 =	vnsel vm1, $0x0, v1  }
0xc1: {  	v1 =	vmin.u32 v1, $0x1387;
	_ =	sdelay $0x2  }
0xc2: {  	v2 =	vld [tilespmem:s9+$0xAD00]  }
0xc3: {  	[tilespmem:s6+$0xBD90] =	vst v0  }
0xc4: {  	v0 =	vld.idx.msk [tilespmem:v1+s7+$0x0], $0xffff;
	_ =	sdelay $0x1  }
0xc5: {  	v1 =	vshll.u32 v1, $0x2  }
0xc6: {  	vm15 =	vlt.f32 v2, $5.000000000e-01  }
0xc7: {  	vm0 =	vmand vm0, vm15  }
0xc8: {  	v0 =	vsel vm0, $0x0, v0  }
0xc9: {  	[tilespmem:s9+$0xB480] =	vst v0  }
0xca: {  	v0 =	vld.idx.msk [tilespmem:v1+s4+$0x0], $0xffff  }
0xcb: {  	v62 =	vor.u32 $0x1, v1;
	_ =	sdelay $0x3  }
0xcc: {  	[tilespmem:s9+$0xB700] =	vst v0  }
0xcd: {  	v0 =	vld.idx.msk [tilespmem:v62+s4+$0x0], $0xffff  }
0xce: {  	v63 =	vor.u32 $0x2, v1;
	_ =	sdelay $0x3  }
0xcf: {  	[tilespmem:s9+$0xB930] =	vst v0  }
0xd0: {  	v0 =	vld.idx.msk [tilespmem:v63+s4+$0x0], $0xffff  }
0xd1: {  	v1 =	vor.u32 $0x3, v1;
	_ =	sdelay $0x3  }
0xd2: {  	[tilespmem:s9+$0xBB60] =	vst v0  }
0xd3: {  	v0 =	vld.idx.msk [tilespmem:v1+s4+$0x0], $0xffff;
	_ =	sdelay $0x3  }
0xd4: {  	s2 =	sadd.s32 s2, s3  }
0xd5: {  	s21 =	simm.s32 $0x0;
	s22 =	simm.s32 $0xB480;
	s23 =	simm.s32 $0x1;
	[tilespmem:s9+$0xBD90] =	vst v0  }
0xd6: {  	[hbm4b:s2+s21] =	stream.linear.scatter [tilespmem:s22], [sflag:$0x1], $0x230, $0x38;
	[tilespmem:$0xC000] =	vst v63  }
0xd7: {  	_ =	swait.ge [sflag:s23], $0x230  }
0xd8: {  	[sflag:s23] =	ssyncset.done $0x0  }
0xd9: {  	s24 =	sadd.s32 s5, s3;
	s25 =	simm.s32 $0xB700;
	[sflag:s23] =	ssyncadd.s32 $0xFFFFFDD0  }
0xda: {  	[hbm4b:s24+s21] =	stream.linear.scatter [tilespmem:s25], [sflag:$0x1], $0x230, $0x38;
	[tilespmem:$0xC000] =	vst v63  }
0xdb: {  	_ =	swait.ge [sflag:s23], $0x230  }
0xdc: {  	[sflag:s23] =	ssyncset.done $0x0  }
0xdd: {  	s28 =	simm.s32 $0xB930;
	s26 =	sadd.s32 $0x460, s24;
	[sflag:s23] =	ssyncadd.s32 $0xFFFFFDD0  }
0xde: {  	[hbm4b:s26+s21] =	stream.linear.scatter [tilespmem:s28], [sflag:$0x1], $0x230, $0x38;
	[tilespmem:$0xC000] =	vst v63  }
0xdf: {  	_ =	swait.ge [sflag:s23], $0x230  }
0xe0: {  	[sflag:s23] =	ssyncset.done $0x0  }
0xe1: {  	s30 =	simm.s32 $0xBB60;
	s29 =	sadd.s32 $0x8C0, s24;
	[sflag:s23] =	ssyncadd.s32 $0xFFFFFDD0  }
0xe2: {  	[hbm4b:s29+s21] =	stream.linear.scatter [tilespmem:s30], [sflag:$0x1], $0x230, $0x38;
	[tilespmem:$0xC000] =	vst v63  }
0xe3: {  	_ =	swait.ge [sflag:s23], $0x230  }
0xe4: {  	[sflag:s23] =	ssyncset.done $0x0  }
0xe5: {  	s31 =	simm.s32 $0xBD90;
	s3 =	sadd.s32 $0xD20, s24;
	[sflag:s23] =	ssyncadd.s32 $0xFFFFFDD0  }
0xe6: {  	[hbm4b:s3+s21] =	stream.linear.scatter [tilespmem:s31], [sflag:$0x1], $0x230, $0x38;
	[tilespmem:$0xC000] =	vst v63  }
0xe7: {  	_ =	swait.ge [sflag:s23], $0x230  }
0xe8: {  	[sflag:s23] =	ssyncset.done $0x0  }
0xe9: {  	[sflag:s23] =	ssyncadd.s32 $0xFFFFFDD0  }
0xea: {  	_ =	sfence.sel $0x180000  }
0xeb: {  	[bflag:$0x0] =	sbarrier.arrive $0xFFFF  }
0xec: {  	p0 =	sne.s32 s1, $0x0;
	_ =	strace $0x90000047  }
0xed: {  	s0 =	sadd.s32 @!p0 $0x100000, s0;
	[bflag:$0x2] =	sbarrier.arrive $0xFFFF  }
0xee: {  	[sflag:s0] =	ssyncadd.tile.s32 @!p0 $0x1;
	_ =	shalt  }
.Lfunc_end2:
_tile_overlayer_lowered:
.L_overlay_start_2:
0xef: {  	(tag) =	ssettag $0x2  }
0xf0: {  	s0 =	rddreg [dreg:$0x0];
	s2 =	stileid.u32  }
0xf1: {  	s1 =	rddreg [dreg:$0x1];
	p0 =	sne.s32 s2, $0x0  }
0xf2: {  	s3 =	rddreg [dreg:$0x2];
	[bflag:$0x3] =	sbarrier.arrive $0xFFFF;
	s2 =	simm.s32 @!p0 $0x1C01  }
0xf3: {  	[timem:s3], [sflag:s2] =	dma.local @!p0 [hbm:s0], s1  }
0xf4: {  	s0 =	simm.s32 @!p0 $0x1  }
0xf5: {  	_ =	swait.ge @!p0 [sflag:s0], s1  }
0xf6: {  	s1 =	ssub.s32 @!p0 $0x0, s1;
	[sflag:s0] =	ssyncset.done @!p0 $0x0  }
0xf7: {  	[sflag:s0] =	ssyncadd.s32 @!p0 s1  }
0xf8: {  	[bflag:$0x3] =	sbarrier.arrive $0xFFFF  }
0xf9: {  	_ =	shalt  }

</sc_bundles>
